<compile_context>
chip_gen: v7x
topology: tpu7x:2x2x1
jax: 0.10.2.dev20260603
libtpu: 0.0.44.dev20260713+nightly
codegen_flags: <defaults>
</compile_context>

<pallas_src>
import functools

import jax
import jax.numpy as jnp
from jax import lax
from jax.experimental import pallas as pl
from jax.experimental.pallas import tpu as pltpu
from jax.experimental.pallas import tpu_sc as plsc

D_MODEL = 64
LANES = 128
SUB = 8


@functools.lru_cache(maxsize=None)
def _make_gather(B1: int, B2: int, D: int):
    info = plsc.get_sparse_core_info()
    NC, NS = info.num_cores, info.num_subcores
    NW = NC * NS
    assert B1 % (LANES * NW) == 0 or B1 // LANES == NW
    NT = B1 // LANES
    NG = D // SUB
    NCBLK = B2 // SUB

    mesh = plsc.VectorSubcoreMesh(core_axis_name="c", subcore_axis_name="s")

    @functools.partial(
        pl.kernel,
        mesh=mesh,
        out_type=jax.ShapeDtypeStruct((B2, NG, NT, SUB, LANES), jnp.float32),
        scratch_types=[
            pltpu.VMEM((NCBLK, SUB, LANES), jnp.int32),
            pltpu.VMEM((2, LANES, LANES), jnp.float32),
            pltpu.VMEM((2, NG, SUB, LANES + 1), jnp.float32),
            pltpu.SemaphoreType.DMA((2,)),
            pltpu.SemaphoreType.DMA((2,)),
            pltpu.SemaphoreType.DMA,
        ],
        compiler_params=pltpu.CompilerParams(
            use_tc_tiling_on_sc=False, needs_layout_passes=False
        ),
    )
    def gather_kernel(idxp, table, out5, idx_v, rows_v, outt_v, gsem, ssem, isem):
        w = lax.axis_index("s") * NC + lax.axis_index("c")
        iota16 = lax.iota(jnp.int32, 16)

        pltpu.async_copy(idxp.at[:, w], idx_v, isem).wait()

        def gather_desc(jj, b):
            c = jj // SUB
            s = jj % SUB
            return pltpu.make_async_copy(
                table.at[idx_v.at[c, s]], rows_v.at[b], gsem.at[b]
            )

        def store_desc(jj, b):
            return pltpu.make_async_copy(
                outt_v.at[b, :, :, pl.ds(0, LANES)],
                out5.at[jj, :, w],
                ssem.at[b],
            )

        NT16 = D // 16
        gvecs = [(iota16 + t * 16) // SUB for t in range(NT16)]
        svecs = [(iota16 + t * 16) % SUB for t in range(NT16)]

        def transpose(b):
            outt3 = outt_v.at[b]

            UNROLL = 4

            def lbody(l0, carry):
                l0 = l0 * UNROLL
                for u in range(UNROLL):
                    l = l0 + u
                    lvec = jnp.full((16,), 0, jnp.int32) + l
                    vals = [
                        rows_v[b, l, pl.ds(t * 16, 16)] for t in range(NT16)
                    ]
                    for t in range(NT16):
                        plsc.store_scatter(
                            outt3, [gvecs[t], svecs[t], lvec], vals[t]
                        )
                return carry

            lax.fori_loop(0, LANES // UNROLL, lbody, 0)

        gather_desc(0, 0).start()

        def body(h, carry):
            for b in range(2):
                jj = 2 * h + b
                gather_desc(jj, b).wait()

                @pl.when(jj + 1 < B2)
                def _():
                    gather_desc(jj + 1, 1 - b).start()

                @pl.when(jj >= 2)
                def _():
                    store_desc(jj - 2, b).wait()

                transpose(b)
                store_desc(jj, b).start()
            return carry

        lax.fori_loop(0, B2 // 2, body, 0)
        store_desc(B2 - 2, 0).wait()
        store_desc(B2 - 1, 1).wait()

    return gather_kernel, NT, NCBLK


def kernel(x, table):
    B1, B2 = x.shape
    gather_fn, NT, NCBLK = _make_gather(B1, B2, D_MODEL)
    idxp = (
        x.reshape(NT, LANES, NCBLK, SUB).transpose(2, 0, 3, 1).astype(jnp.int32)
    )
    tp = jnp.pad(table, ((0, 0), (0, LANES - D_MODEL)))
    out5 = gather_fn(idxp, tp)
    out = out5.transpose(2, 4, 0, 1, 3).reshape(B1, B2, D_MODEL)
    return out

# --- scband reference (transcript-rebuilt; emitter-appended) ---
"""Pipeline reference for scband-token-embedding-86199993630902 (READ-ONLY COPY).

The authoritative reference and input builder live on the scoring server;
editing this copy changes nothing except your own understanding.
"""

import jax, jax.numpy as jnp
import numpy as np

D_MODEL = 64
NUM_TOKENS = 1000000

def setup_inputs(seed: int = 0) -> dict:
    key = jax.random.key(seed)
    k1, k2 = jax.random.split(key)
    x = jax.random.randint(k1, (4096, 200), 0, NUM_TOKENS, dtype=jnp.int64 if jax.config.jax_enable_x64 else jnp.int32)
    table = jax.random.normal(k2, (NUM_TOKENS, D_MODEL), dtype=jnp.float32)
    return {"x": x, "table": table}

def reference(x, table):
    # torch.nn.Embedding forward: gather rows of the embedding table
    return jnp.take(table, x, axis=0)

if __name__ == "__main__":
    import jax
    _d = setup_inputs()
    print(jax.jit(kernel)(*tuple(_d.values())))

</pallas_src>

<mosaic_0001>
#map = affine_map<(d0, d1) -> (0, 0, 0, 0)>
#map1 = affine_map<(d0, d1) -> (0, 0)>
#map2 = affine_map<(d0, d1) -> (0, 0, 0, 0, 0)>
module attributes {stable_mosaic.version = 14 : i64} {
  func.func @gather_kernel(%arg0: i32, %arg1: i32, %arg2: memref<25x32x8x128xi32, #tpu.memory_space<hbm>>, %arg3: memref<1000000x128xf32, #tpu.memory_space<hbm>>, %arg4: memref<200x8x32x8x128xf32, #tpu.memory_space<hbm>>, %arg5: memref<25x8x128xi32, #tpu.memory_space<vmem>>, %arg6: memref<2x128x128xf32, #tpu.memory_space<vmem>>, %arg7: memref<2x8x8x129xf32, #tpu.memory_space<vmem>>, %arg8: memref<2x!tpu.dma_semaphore, #tpu.memory_space<semaphore_mem>>, %arg9: memref<2x!tpu.dma_semaphore, #tpu.memory_space<semaphore_mem>>, %arg10: memref<!tpu.dma_semaphore, #tpu.memory_space<semaphore_mem>>) attributes {dimension_semantics = [#tpu.dimension_semantics<core_parallel>, #tpu.dimension_semantics<subcore_parallel>], iteration_bounds = array<i64: 2, 16>, scalar_prefetch = 0 : i64, scratch_operands = 6 : i64, tpu.core_type = #tpu.core_type<sc_vector_subcore>, window_params = [{transform_indices = #map}, {transform_indices = #map1}, {transform_indices = #map2}]} {
    %mul3A = arith.constant 2 : i32
    %mul3A_0 = arith.muli %arg1, %mul3A : i32
    %add3A = arith.addi %mul3A_0, %arg0 : i32
    %iota3A = tpu.iota {dimensions = array<i32: 0>} : vector<16xi32>
    %dma_start3A = arith.constant 0 : i32
    %dma_start3A_1 = arith.constant 0 : i32
    %dma_start3A_2 = arith.constant 0 : i32
    %dma_start3A_3 = tpu.memref_slice %arg2[%dma_start3A, %add3A, %dma_start3A_1, %dma_start3A_2] : memref<25x32x8x128xi32, #tpu.memory_space<hbm>> -> memref<25x1x8x128xi32, #tpu.memory_space<hbm>>
    %dma_start3A_4 = tpu.memref_squeeze %dma_start3A_3 : memref<25x1x8x128xi32, #tpu.memory_space<hbm>> -> memref<25x8x128xi32, #tpu.memory_space<hbm>>
    %dma_start3A_5 = arith.constant 0 : i32
    %dma_start3A_6 = arith.constant 0 : i32
    %dma_start3A_7 = arith.constant 0 : i32
    %dma_start3A_8 = tpu.memref_slice %arg2[%dma_start3A_5, %add3A, %dma_start3A_6, %dma_start3A_7] : memref<25x32x8x128xi32, #tpu.memory_space<hbm>> -> memref<25x1x8x128xi32, #tpu.memory_space<hbm>>
    %dma_start3A_9 = tpu.memref_squeeze %dma_start3A_8 : memref<25x1x8x128xi32, #tpu.memory_space<hbm>> -> memref<25x8x128xi32, #tpu.memory_space<hbm>>
    tpu.enqueue_dma source(%dma_start3A_9 : memref<25x8x128xi32, #tpu.memory_space<hbm>>) target(%arg5 : memref<25x8x128xi32, #tpu.memory_space<vmem>>) target_semaphore(%arg10 : memref<!tpu.dma_semaphore, #tpu.memory_space<semaphore_mem>>)
    %dma_wait3A = arith.constant 0 : i32
    %dma_wait3A_10 = arith.constant 0 : i32
    %dma_wait3A_11 = arith.constant 0 : i32
    %dma_wait3A_12 = tpu.memref_slice %arg2[%dma_wait3A, %add3A, %dma_wait3A_10, %dma_wait3A_11] : memref<25x32x8x128xi32, #tpu.memory_space<hbm>> -> memref<25x1x8x128xi32, #tpu.memory_space<hbm>>
    %dma_wait3A_13 = tpu.memref_squeeze %dma_wait3A_12 : memref<25x1x8x128xi32, #tpu.memory_space<hbm>> -> memref<25x8x128xi32, #tpu.memory_space<hbm>>
    %dma_wait3A_14 = arith.constant 0 : i32
    %dma_wait3A_15 = arith.constant 0 : i32
    %dma_wait3A_16 = arith.constant 0 : i32
    %dma_wait3A_17 = tpu.memref_slice %arg2[%dma_wait3A_14, %add3A, %dma_wait3A_15, %dma_wait3A_16] : memref<25x32x8x128xi32, #tpu.memory_space<hbm>> -> memref<25x1x8x128xi32, #tpu.memory_space<hbm>>
    %dma_wait3A_18 = tpu.memref_squeeze %dma_wait3A_17 : memref<25x1x8x128xi32, #tpu.memory_space<hbm>> -> memref<25x8x128xi32, #tpu.memory_space<hbm>>
    tpu.wait_dma2 semaphore(%arg10 : memref<!tpu.dma_semaphore, #tpu.memory_space<semaphore_mem>>) src(%dma_wait3A_18 : memref<25x8x128xi32, #tpu.memory_space<hbm>>) dst(%arg5 : memref<25x8x128xi32, #tpu.memory_space<vmem>>)
    %add3A_19 = arith.constant 0 : i32
    %add3A_20 = vector.broadcast %add3A_19 : i32 to vector<16xi32>
    %add3A_21 = arith.addi %iota3A, %add3A_20 : vector<16xi32>
    %jit3A = arith.constant 8 : i32
    %div3A = vector.broadcast %jit3A : i32 to vector<16xi32>
    %div3A_22 = arith.divsi %add3A_21, %div3A : vector<16xi32>
    %sign3A = arith.constant 0 : i32
    %sign3A_23 = vector.broadcast %sign3A : i32 to vector<16xi32>
    %sign3A_24 = arith.cmpi sgt, %add3A_21, %sign3A_23 : vector<16xi32>
    %sign3A_25 = arith.extui %sign3A_24 : vector<16xi1> to vector<16xi32>
    %sign3A_26 = arith.constant 0 : i32
    %sign3A_27 = vector.broadcast %sign3A_26 : i32 to vector<16xi32>
    %sign3A_28 = arith.cmpi slt, %add3A_21, %sign3A_27 : vector<16xi32>
    %sign3A_29 = arith.extui %sign3A_28 : vector<16xi1> to vector<16xi32>
    %sign3A_30 = arith.subi %sign3A_25, %sign3A_29 : vector<16xi32>
    %sign3A_31 = arith.constant 0 : i32
    %sign3A_32 = arith.cmpi sgt, %jit3A, %sign3A_31 : i32
    %sign3A_33 = arith.extui %sign3A_32 : i1 to i32
    %sign3A_34 = arith.constant 0 : i32
    %sign3A_35 = arith.cmpi slt, %jit3A, %sign3A_34 : i32
    %sign3A_36 = arith.extui %sign3A_35 : i1 to i32
    %sign3A_37 = arith.subi %sign3A_33, %sign3A_36 : i32
    %ne3A = vector.broadcast %sign3A_37 : i32 to vector<16xi32>
    %ne3A_38 = arith.cmpi ne, %sign3A_30, %ne3A : vector<16xi32>
    %rem3A = vector.broadcast %jit3A : i32 to vector<16xi32>
    %rem3A_39 = arith.remsi %add3A_21, %rem3A : vector<16xi32>
    %ne3A_40 = arith.constant 0 : i32
    %ne3A_41 = vector.broadcast %ne3A_40 : i32 to vector<16xi32>
    %ne3A_42 = arith.cmpi ne, %rem3A_39, %ne3A_41 : vector<16xi32>
    %and3A = arith.andi %ne3A_38, %ne3A_42 : vector<16xi1>
    %sub3A = arith.constant 1 : i32
    %sub3A_43 = vector.broadcast %sub3A : i32 to vector<16xi32>
    %sub3A_44 = arith.subi %div3A_22, %sub3A_43 : vector<16xi32>
    %select_n3A = arith.select %and3A, %sub3A_44, %div3A_22 : vector<16xi1>, vector<16xi32>
    %add3A_45 = arith.constant 16 : i32
    %add3A_46 = vector.broadcast %add3A_45 : i32 to vector<16xi32>
    %add3A_47 = arith.addi %iota3A, %add3A_46 : vector<16xi32>
    %jit3A_48 = arith.constant 8 : i32
    %div3A_49 = vector.broadcast %jit3A_48 : i32 to vector<16xi32>
    %div3A_50 = arith.divsi %add3A_47, %div3A_49 : vector<16xi32>
    %sign3A_51 = arith.constant 0 : i32
    %sign3A_52 = vector.broadcast %sign3A_51 : i32 to vector<16xi32>
    %sign3A_53 = arith.cmpi sgt, %add3A_47, %sign3A_52 : vector<16xi32>
    %sign3A_54 = arith.extui %sign3A_53 : vector<16xi1> to vector<16xi32>
    %sign3A_55 = arith.constant 0 : i32
    %sign3A_56 = vector.broadcast %sign3A_55 : i32 to vector<16xi32>
    %sign3A_57 = arith.cmpi slt, %add3A_47, %sign3A_56 : vector<16xi32>
    %sign3A_58 = arith.extui %sign3A_57 : vector<16xi1> to vector<16xi32>
    %sign3A_59 = arith.subi %sign3A_54, %sign3A_58 : vector<16xi32>
    %sign3A_60 = arith.constant 0 : i32
    %sign3A_61 = arith.cmpi sgt, %jit3A_48, %sign3A_60 : i32
    %sign3A_62 = arith.extui %sign3A_61 : i1 to i32
    %sign3A_63 = arith.constant 0 : i32
    %sign3A_64 = arith.cmpi slt, %jit3A_48, %sign3A_63 : i32
    %sign3A_65 = arith.extui %sign3A_64 : i1 to i32
    %sign3A_66 = arith.subi %sign3A_62, %sign3A_65 : i32
    %ne3A_67 = vector.broadcast %sign3A_66 : i32 to vector<16xi32>
    %ne3A_68 = arith.cmpi ne, %sign3A_59, %ne3A_67 : vector<16xi32>
    %rem3A_69 = vector.broadcast %jit3A_48 : i32 to vector<16xi32>
    %rem3A_70 = arith.remsi %add3A_47, %rem3A_69 : vector<16xi32>
    %ne3A_71 = arith.constant 0 : i32
    %ne3A_72 = vector.broadcast %ne3A_71 : i32 to vector<16xi32>
    %ne3A_73 = arith.cmpi ne, %rem3A_70, %ne3A_72 : vector<16xi32>
    %and3A_74 = arith.andi %ne3A_68, %ne3A_73 : vector<16xi1>
    %sub3A_75 = arith.constant 1 : i32
    %sub3A_76 = vector.broadcast %sub3A_75 : i32 to vector<16xi32>
    %sub3A_77 = arith.subi %div3A_50, %sub3A_76 : vector<16xi32>
    %select_n3A_78 = arith.select %and3A_74, %sub3A_77, %div3A_50 : vector<16xi1>, vector<16xi32>
    %add3A_79 = arith.constant 32 : i32
    %add3A_80 = vector.broadcast %add3A_79 : i32 to vector<16xi32>
    %add3A_81 = arith.addi %iota3A, %add3A_80 : vector<16xi32>
    %jit3A_82 = arith.constant 8 : i32
    %div3A_83 = vector.broadcast %jit3A_82 : i32 to vector<16xi32>
    %div3A_84 = arith.divsi %add3A_81, %div3A_83 : vector<16xi32>
    %sign3A_85 = arith.constant 0 : i32
    %sign3A_86 = vector.broadcast %sign3A_85 : i32 to vector<16xi32>
    %sign3A_87 = arith.cmpi sgt, %add3A_81, %sign3A_86 : vector<16xi32>
    %sign3A_88 = arith.extui %sign3A_87 : vector<16xi1> to vector<16xi32>
    %sign3A_89 = arith.constant 0 : i32
    %sign3A_90 = vector.broadcast %sign3A_89 : i32 to vector<16xi32>
    %sign3A_91 = arith.cmpi slt, %add3A_81, %sign3A_90 : vector<16xi32>
    %sign3A_92 = arith.extui %sign3A_91 : vector<16xi1> to vector<16xi32>
    %sign3A_93 = arith.subi %sign3A_88, %sign3A_92 : vector<16xi32>
    %sign3A_94 = arith.constant 0 : i32
    %sign3A_95 = arith.cmpi sgt, %jit3A_82, %sign3A_94 : i32
    %sign3A_96 = arith.extui %sign3A_95 : i1 to i32
    %sign3A_97 = arith.constant 0 : i32
    %sign3A_98 = arith.cmpi slt, %jit3A_82, %sign3A_97 : i32
    %sign3A_99 = arith.extui %sign3A_98 : i1 to i32
    %sign3A_100 = arith.subi %sign3A_96, %sign3A_99 : i32
    %ne3A_101 = vector.broadcast %sign3A_100 : i32 to vector<16xi32>
    %ne3A_102 = arith.cmpi ne, %sign3A_93, %ne3A_101 : vector<16xi32>
    %rem3A_103 = vector.broadcast %jit3A_82 : i32 to vector<16xi32>
    %rem3A_104 = arith.remsi %add3A_81, %rem3A_103 : vector<16xi32>
    %ne3A_105 = arith.constant 0 : i32
    %ne3A_106 = vector.broadcast %ne3A_105 : i32 to vector<16xi32>
    %ne3A_107 = arith.cmpi ne, %rem3A_104, %ne3A_106 : vector<16xi32>
    %and3A_108 = arith.andi %ne3A_102, %ne3A_107 : vector<16xi1>
    %sub3A_109 = arith.constant 1 : i32
    %sub3A_110 = vector.broadcast %sub3A_109 : i32 to vector<16xi32>
    %sub3A_111 = arith.subi %div3A_84, %sub3A_110 : vector<16xi32>
    %select_n3A_112 = arith.select %and3A_108, %sub3A_111, %div3A_84 : vector<16xi1>, vector<16xi32>
    %add3A_113 = arith.constant 48 : i32
    %add3A_114 = vector.broadcast %add3A_113 : i32 to vector<16xi32>
    %add3A_115 = arith.addi %iota3A, %add3A_114 : vector<16xi32>
    %jit3A_116 = arith.constant 8 : i32
    %div3A_117 = vector.broadcast %jit3A_116 : i32 to vector<16xi32>
    %div3A_118 = arith.divsi %add3A_115, %div3A_117 : vector<16xi32>
    %sign3A_119 = arith.constant 0 : i32
    %sign3A_120 = vector.broadcast %sign3A_119 : i32 to vector<16xi32>
    %sign3A_121 = arith.cmpi sgt, %add3A_115, %sign3A_120 : vector<16xi32>
    %sign3A_122 = arith.extui %sign3A_121 : vector<16xi1> to vector<16xi32>
    %sign3A_123 = arith.constant 0 : i32
    %sign3A_124 = vector.broadcast %sign3A_123 : i32 to vector<16xi32>
    %sign3A_125 = arith.cmpi slt, %add3A_115, %sign3A_124 : vector<16xi32>
    %sign3A_126 = arith.extui %sign3A_125 : vector<16xi1> to vector<16xi32>
    %sign3A_127 = arith.subi %sign3A_122, %sign3A_126 : vector<16xi32>
    %sign3A_128 = arith.constant 0 : i32
    %sign3A_129 = arith.cmpi sgt, %jit3A_116, %sign3A_128 : i32
    %sign3A_130 = arith.extui %sign3A_129 : i1 to i32
    %sign3A_131 = arith.constant 0 : i32
    %sign3A_132 = arith.cmpi slt, %jit3A_116, %sign3A_131 : i32
    %sign3A_133 = arith.extui %sign3A_132 : i1 to i32
    %sign3A_134 = arith.subi %sign3A_130, %sign3A_133 : i32
    %ne3A_135 = vector.broadcast %sign3A_134 : i32 to vector<16xi32>
    %ne3A_136 = arith.cmpi ne, %sign3A_127, %ne3A_135 : vector<16xi32>
    %rem3A_137 = vector.broadcast %jit3A_116 : i32 to vector<16xi32>
    %rem3A_138 = arith.remsi %add3A_115, %rem3A_137 : vector<16xi32>
    %ne3A_139 = arith.constant 0 : i32
    %ne3A_140 = vector.broadcast %ne3A_139 : i32 to vector<16xi32>
    %ne3A_141 = arith.cmpi ne, %rem3A_138, %ne3A_140 : vector<16xi32>
    %and3A_142 = arith.andi %ne3A_136, %ne3A_141 : vector<16xi1>
    %sub3A_143 = arith.constant 1 : i32
    %sub3A_144 = vector.broadcast %sub3A_143 : i32 to vector<16xi32>
    %sub3A_145 = arith.subi %div3A_118, %sub3A_144 : vector<16xi32>
    %select_n3A_146 = arith.select %and3A_142, %sub3A_145, %div3A_118 : vector<16xi1>, vector<16xi32>
    %add3A_147 = arith.constant 0 : i32
    %add3A_148 = vector.broadcast %add3A_147 : i32 to vector<16xi32>
    %add3A_149 = arith.addi %iota3A, %add3A_148 : vector<16xi32>
    %jit3A_150 = arith.constant 8 : i32
    %eq3A = arith.constant 0 : i32
    %eq3A_151 = arith.cmpi eq, %jit3A_150, %eq3A : i32
    %jit3A_152 = arith.constant 1 : i32
    %select_n3A_153 = arith.select %eq3A_151, %jit3A_152, %jit3A_150 : i32
    %rem3A_154 = vector.broadcast %select_n3A_153 : i32 to vector<16xi32>
    %rem3A_155 = arith.remsi %add3A_149, %rem3A_154 : vector<16xi32>
    %ne3A_156 = arith.constant 0 : i32
    %ne3A_157 = vector.broadcast %ne3A_156 : i32 to vector<16xi32>
    %ne3A_158 = arith.cmpi ne, %rem3A_155, %ne3A_157 : vector<16xi32>
    %lt3A = arith.constant 0 : i32
    %lt3A_159 = vector.broadcast %lt3A : i32 to vector<16xi32>
    %lt3A_160 = arith.cmpi slt, %rem3A_155, %lt3A_159 : vector<16xi32>
    %lt3A_161 = arith.constant 0 : i32
    %lt3A_162 = arith.cmpi slt, %select_n3A_153, %lt3A_161 : i32
    %ne3A_163 = vector.broadcast %lt3A_162 : i1 to vector<16xi1>
    %ne3A_164 = vector.broadcast %ne3A_163 : vector<16xi1> to vector<16xi1>
    %ne3A_165 = arith.xori %lt3A_160, %ne3A_164 : vector<16xi1>
    %and3A_166 = arith.andi %ne3A_165, %ne3A_158 : vector<16xi1>
    %add3A_167 = vector.broadcast %select_n3A_153 : i32 to vector<16xi32>
    %add3A_168 = arith.addi %rem3A_155, %add3A_167 : vector<16xi32>
    %select_n3A_169 = arith.select %and3A_166, %add3A_168, %rem3A_155 : vector<16xi1>, vector<16xi32>
    %add3A_170 = arith.constant 16 : i32
    %add3A_171 = vector.broadcast %add3A_170 : i32 to vector<16xi32>
    %add3A_172 = arith.addi %iota3A, %add3A_171 : vector<16xi32>
    %jit3A_173 = arith.constant 8 : i32
    %eq3A_174 = arith.constant 0 : i32
    %eq3A_175 = arith.cmpi eq, %jit3A_173, %eq3A_174 : i32
    %jit3A_176 = arith.constant 1 : i32
    %select_n3A_177 = arith.select %eq3A_175, %jit3A_176, %jit3A_173 : i32
    %rem3A_178 = vector.broadcast %select_n3A_177 : i32 to vector<16xi32>
    %rem3A_179 = arith.remsi %add3A_172, %rem3A_178 : vector<16xi32>
    %ne3A_180 = arith.constant 0 : i32
    %ne3A_181 = vector.broadcast %ne3A_180 : i32 to vector<16xi32>
    %ne3A_182 = arith.cmpi ne, %rem3A_179, %ne3A_181 : vector<16xi32>
    %lt3A_183 = arith.constant 0 : i32
    %lt3A_184 = vector.broadcast %lt3A_183 : i32 to vector<16xi32>
    %lt3A_185 = arith.cmpi slt, %rem3A_179, %lt3A_184 : vector<16xi32>
    %lt3A_186 = arith.constant 0 : i32
    %lt3A_187 = arith.cmpi slt, %select_n3A_177, %lt3A_186 : i32
    %ne3A_188 = vector.broadcast %lt3A_187 : i1 to vector<16xi1>
    %ne3A_189 = vector.broadcast %ne3A_188 : vector<16xi1> to vector<16xi1>
    %ne3A_190 = arith.xori %lt3A_185, %ne3A_189 : vector<16xi1>
    %and3A_191 = arith.andi %ne3A_190, %ne3A_182 : vector<16xi1>
    %add3A_192 = vector.broadcast %select_n3A_177 : i32 to vector<16xi32>
    %add3A_193 = arith.addi %rem3A_179, %add3A_192 : vector<16xi32>
    %select_n3A_194 = arith.select %and3A_191, %add3A_193, %rem3A_179 : vector<16xi1>, vector<16xi32>
    %add3A_195 = arith.constant 32 : i32
    %add3A_196 = vector.broadcast %add3A_195 : i32 to vector<16xi32>
    %add3A_197 = arith.addi %iota3A, %add3A_196 : vector<16xi32>
    %jit3A_198 = arith.constant 8 : i32
    %eq3A_199 = arith.constant 0 : i32
    %eq3A_200 = arith.cmpi eq, %jit3A_198, %eq3A_199 : i32
    %jit3A_201 = arith.constant 1 : i32
    %select_n3A_202 = arith.select %eq3A_200, %jit3A_201, %jit3A_198 : i32
    %rem3A_203 = vector.broadcast %select_n3A_202 : i32 to vector<16xi32>
    %rem3A_204 = arith.remsi %add3A_197, %rem3A_203 : vector<16xi32>
    %ne3A_205 = arith.constant 0 : i32
    %ne3A_206 = vector.broadcast %ne3A_205 : i32 to vector<16xi32>
    %ne3A_207 = arith.cmpi ne, %rem3A_204, %ne3A_206 : vector<16xi32>
    %lt3A_208 = arith.constant 0 : i32
    %lt3A_209 = vector.broadcast %lt3A_208 : i32 to vector<16xi32>
    %lt3A_210 = arith.cmpi slt, %rem3A_204, %lt3A_209 : vector<16xi32>
    %lt3A_211 = arith.constant 0 : i32
    %lt3A_212 = arith.cmpi slt, %select_n3A_202, %lt3A_211 : i32
    %ne3A_213 = vector.broadcast %lt3A_212 : i1 to vector<16xi1>
    %ne3A_214 = vector.broadcast %ne3A_213 : vector<16xi1> to vector<16xi1>
    %ne3A_215 = arith.xori %lt3A_210, %ne3A_214 : vector<16xi1>
    %and3A_216 = arith.andi %ne3A_215, %ne3A_207 : vector<16xi1>
    %add3A_217 = vector.broadcast %select_n3A_202 : i32 to vector<16xi32>
    %add3A_218 = arith.addi %rem3A_204, %add3A_217 : vector<16xi32>
    %select_n3A_219 = arith.select %and3A_216, %add3A_218, %rem3A_204 : vector<16xi1>, vector<16xi32>
    %add3A_220 = arith.constant 48 : i32
    %add3A_221 = vector.broadcast %add3A_220 : i32 to vector<16xi32>
    %add3A_222 = arith.addi %iota3A, %add3A_221 : vector<16xi32>
    %jit3A_223 = arith.constant 8 : i32
    %eq3A_224 = arith.constant 0 : i32
    %eq3A_225 = arith.cmpi eq, %jit3A_223, %eq3A_224 : i32
    %jit3A_226 = arith.constant 1 : i32
    %select_n3A_227 = arith.select %eq3A_225, %jit3A_226, %jit3A_223 : i32
    %rem3A_228 = vector.broadcast %select_n3A_227 : i32 to vector<16xi32>
    %rem3A_229 = arith.remsi %add3A_222, %rem3A_228 : vector<16xi32>
    %ne3A_230 = arith.constant 0 : i32
    %ne3A_231 = vector.broadcast %ne3A_230 : i32 to vector<16xi32>
    %ne3A_232 = arith.cmpi ne, %rem3A_229, %ne3A_231 : vector<16xi32>
    %lt3A_233 = arith.constant 0 : i32
    %lt3A_234 = vector.broadcast %lt3A_233 : i32 to vector<16xi32>
    %lt3A_235 = arith.cmpi slt, %rem3A_229, %lt3A_234 : vector<16xi32>
    %lt3A_236 = arith.constant 0 : i32
    %lt3A_237 = arith.cmpi slt, %select_n3A_227, %lt3A_236 : i32
    %ne3A_238 = vector.broadcast %lt3A_237 : i1 to vector<16xi1>
    %ne3A_239 = vector.broadcast %ne3A_238 : vector<16xi1> to vector<16xi1>
    %ne3A_240 = arith.xori %lt3A_235, %ne3A_239 : vector<16xi1>
    %and3A_241 = arith.andi %ne3A_240, %ne3A_232 : vector<16xi1>
    %add3A_242 = vector.broadcast %select_n3A_227 : i32 to vector<16xi32>
    %add3A_243 = arith.addi %rem3A_229, %add3A_242 : vector<16xi32>
    %select_n3A_244 = arith.select %and3A_241, %add3A_243, %rem3A_229 : vector<16xi1>, vector<16xi32>
    %dma_start3A_245 = arith.constant 0 : i32
    %dma_start3A_246 = arith.constant 0 : i32
    %dma_start3A_247 = arith.constant 0 : i32
    %dma_start3A_248 = arith.constant 0 : i32
    %dma_start3A_249 = arith.constant 0 : i32
    %dma_start3A_250 = arith.constant 0 : i32
    %dma_start3A_251 = tpu.memref_slice %arg6[%dma_start3A_247, %dma_start3A_249, %dma_start3A_250] : memref<2x128x128xf32, #tpu.memory_space<vmem>> -> memref<1x128x128xf32, #tpu.memory_space<vmem>>
    %dma_start3A_252 = tpu.memref_squeeze %dma_start3A_251 : memref<1x128x128xf32, #tpu.memory_space<vmem>> -> memref<128x128xf32, #tpu.memory_space<vmem>>
    %dma_start3A_253 = arith.constant 0 : i32
    %dma_start3A_254 = tpu.memref_slice %arg5[%dma_start3A_245, %dma_start3A_246, %dma_start3A_253] : memref<25x8x128xi32, #tpu.memory_space<vmem>> -> memref<1x1x128xi32, #tpu.memory_space<vmem>>
    %dma_start3A_255 = tpu.memref_squeeze %dma_start3A_254 : memref<1x1x128xi32, #tpu.memory_space<vmem>> -> memref<128xi32, #tpu.memory_space<vmem>>
    %dma_start3A_256 = arith.constant 0 : i32
    %dma_start3A_257 = arith.constant 0 : i32
    %dma_start3A_258 = tpu.memref_slice %arg3[%dma_start3A_256, %dma_start3A_257] : memref<1000000x128xf32, #tpu.memory_space<hbm>> -> memref<1000000x128xf32, #tpu.memory_space<hbm>>
    %dma_start3A_259 = tpu.memref_slice %arg8[%dma_start3A_248] : memref<2x!tpu.dma_semaphore, #tpu.memory_space<semaphore_mem>> -> memref<1x!tpu.dma_semaphore, #tpu.memory_space<semaphore_mem>>
    %dma_start3A_260 = tpu.memref_squeeze %dma_start3A_259 : memref<1x!tpu.dma_semaphore, #tpu.memory_space<semaphore_mem>> -> memref<!tpu.dma_semaphore, #tpu.memory_space<semaphore_mem>>
    tpu.enqueue_indirect_dma source(%dma_start3A_258 : memref<1000000x128xf32, #tpu.memory_space<hbm>>) target(%dma_start3A_252 : memref<128x128xf32, #tpu.memory_space<vmem>>) offsets(%dma_start3A_255 : memref<128xi32, #tpu.memory_space<vmem>>) semaphore(%dma_start3A_260 : memref<!tpu.dma_semaphore, #tpu.memory_space<semaphore_mem>>)
    %scan3A = arith.constant 0 : i32
    %scan3A_261 = arith.constant 0 : i32
    %scan3A_262 = arith.constant 100 : i32
    %scan3A_263 = arith.addi %scan3A_261, %scan3A_262 : i32
    %scan3A_264 = arith.constant 1 : i32
    scf.for %scan3A_316 = %scan3A_261 to %scan3A_263 step %scan3A_264  : i32 {
      %mul3A_317 = arith.constant 2 : i32
      %mul3A_318 = arith.muli %mul3A_317, %scan3A_316 : i32
      %add3A_319 = arith.constant 0 : i32
      %add3A_320 = arith.addi %mul3A_318, %add3A_319 : i32
      %jit3A_321 = arith.constant 8 : i32
      %div3A_322 = arith.divsi %add3A_320, %jit3A_321 : i32
      %sign3A_323 = arith.constant 0 : i32
      %sign3A_324 = arith.cmpi sgt, %add3A_320, %sign3A_323 : i32
      %sign3A_325 = arith.extui %sign3A_324 : i1 to i32
      %sign3A_326 = arith.constant 0 : i32
      %sign3A_327 = arith.cmpi slt, %add3A_320, %sign3A_326 : i32
      %sign3A_328 = arith.extui %sign3A_327 : i1 to i32
      %sign3A_329 = arith.subi %sign3A_325, %sign3A_328 : i32
      %sign3A_330 = arith.constant 0 : i32
      %sign3A_331 = arith.cmpi sgt, %jit3A_321, %sign3A_330 : i32
      %sign3A_332 = arith.extui %sign3A_331 : i1 to i32
      %sign3A_333 = arith.constant 0 : i32
      %sign3A_334 = arith.cmpi slt, %jit3A_321, %sign3A_333 : i32
      %sign3A_335 = arith.extui %sign3A_334 : i1 to i32
      %sign3A_336 = arith.subi %sign3A_332, %sign3A_335 : i32
      %ne3A_337 = arith.cmpi ne, %sign3A_329, %sign3A_336 : i32
      %rem3A_338 = arith.remsi %add3A_320, %jit3A_321 : i32
      %ne3A_339 = arith.constant 0 : i32
      %ne3A_340 = arith.cmpi ne, %rem3A_338, %ne3A_339 : i32
      %and3A_341 = arith.andi %ne3A_337, %ne3A_340 : i1
      %sub3A_342 = arith.constant 1 : i32
      %sub3A_343 = arith.subi %div3A_322, %sub3A_342 : i32
      %select_n3A_344 = arith.select %and3A_341, %sub3A_343, %div3A_322 : i32
      %jit3A_345 = arith.constant 8 : i32
      %eq3A_346 = arith.constant 0 : i32
      %eq3A_347 = arith.cmpi eq, %jit3A_345, %eq3A_346 : i32
      %jit3A_348 = arith.constant 1 : i32
      %select_n3A_349 = arith.select %eq3A_347, %jit3A_348, %jit3A_345 : i32
      %rem3A_350 = arith.remsi %add3A_320, %select_n3A_349 : i32
      %ne3A_351 = arith.constant 0 : i32
      %ne3A_352 = arith.cmpi ne, %rem3A_350, %ne3A_351 : i32
      %lt3A_353 = arith.constant 0 : i32
      %lt3A_354 = arith.cmpi slt, %rem3A_350, %lt3A_353 : i32
      %lt3A_355 = arith.constant 0 : i32
      %lt3A_356 = arith.cmpi slt, %select_n3A_349, %lt3A_355 : i32
      %ne3A_357 = arith.xori %lt3A_354, %lt3A_356 : i1
      %and3A_358 = arith.andi %ne3A_357, %ne3A_352 : i1
      %add3A_359 = arith.addi %rem3A_350, %select_n3A_349 : i32
      %select_n3A_360 = arith.select %and3A_358, %add3A_359, %rem3A_350 : i32
      %dma_wait3A_361 = arith.constant 0 : i32
      %dma_wait3A_362 = arith.constant 0 : i32
      %dma_wait3A_363 = arith.constant 0 : i32
      %dma_wait3A_364 = arith.constant 0 : i32
      %dma_wait3A_365 = tpu.memref_slice %arg6[%dma_wait3A_361, %dma_wait3A_363, %dma_wait3A_364] : memref<2x128x128xf32, #tpu.memory_space<vmem>> -> memref<1x128x128xf32, #tpu.memory_space<vmem>>
      %dma_wait3A_366 = tpu.memref_squeeze %dma_wait3A_365 : memref<1x128x128xf32, #tpu.memory_space<vmem>> -> memref<128x128xf32, #tpu.memory_space<vmem>>
      %dma_wait3A_367 = arith.constant 0 : i32
      %dma_wait3A_368 = tpu.memref_slice %arg5[%select_n3A_344, %select_n3A_360, %dma_wait3A_367] : memref<25x8x128xi32, #tpu.memory_space<vmem>> -> memref<1x1x128xi32, #tpu.memory_space<vmem>>
      %dma_wait3A_369 = tpu.memref_squeeze %dma_wait3A_368 : memref<1x1x128xi32, #tpu.memory_space<vmem>> -> memref<128xi32, #tpu.memory_space<vmem>>
      %dma_wait3A_370 = arith.constant 0 : i32
      %dma_wait3A_371 = arith.constant 0 : i32
      %dma_wait3A_372 = tpu.memref_slice %arg3[%dma_wait3A_370, %dma_wait3A_371] : memref<1000000x128xf32, #tpu.memory_space<hbm>> -> memref<1000000x128xf32, #tpu.memory_space<hbm>>
      %dma_wait3A_373 = tpu.memref_slice %arg8[%dma_wait3A_362] : memref<2x!tpu.dma_semaphore, #tpu.memory_space<semaphore_mem>> -> memref<1x!tpu.dma_semaphore, #tpu.memory_space<semaphore_mem>>
      %dma_wait3A_374 = tpu.memref_squeeze %dma_wait3A_373 : memref<1x!tpu.dma_semaphore, #tpu.memory_space<semaphore_mem>> -> memref<!tpu.dma_semaphore, #tpu.memory_space<semaphore_mem>>
      tpu.wait_indirect_dma semaphore(%dma_wait3A_374 : memref<!tpu.dma_semaphore, #tpu.memory_space<semaphore_mem>>) src(%dma_wait3A_372 : memref<1000000x128xf32, #tpu.memory_space<hbm>>) dst(%dma_wait3A_366 : memref<128x128xf32, #tpu.memory_space<vmem>>)
      %add3A_375 = arith.constant 1 : i32
      %add3A_376 = arith.addi %add3A_320, %add3A_375 : i32
      %lt3A_377 = arith.constant 200 : i32
      %lt3A_378 = arith.cmpi slt, %add3A_376, %lt3A_377 : i32
      %convert_element_type3A = arith.extui %lt3A_378 : i1 to i32
      %cond3A = arith.constant 0 : i32
      %cond3A_379 = arith.cmpi ne, %convert_element_type3A, %cond3A : i32
      scf.if %cond3A_379 {
        %add3A_516 = arith.constant 1 : i32
        %add3A_517 = arith.addi %add3A_320, %add3A_516 : i32
        %jit3A_518 = arith.constant 8 : i32
        %div3A_519 = arith.divsi %add3A_517, %jit3A_518 : i32
        %sign3A_520 = arith.constant 0 : i32
        %sign3A_521 = arith.cmpi sgt, %add3A_517, %sign3A_520 : i32
        %sign3A_522 = arith.extui %sign3A_521 : i1 to i32
        %sign3A_523 = arith.constant 0 : i32
        %sign3A_524 = arith.cmpi slt, %add3A_517, %sign3A_523 : i32
        %sign3A_525 = arith.extui %sign3A_524 : i1 to i32
        %sign3A_526 = arith.subi %sign3A_522, %sign3A_525 : i32
        %sign3A_527 = arith.constant 0 : i32
        %sign3A_528 = arith.cmpi sgt, %jit3A_518, %sign3A_527 : i32
        %sign3A_529 = arith.extui %sign3A_528 : i1 to i32
        %sign3A_530 = arith.constant 0 : i32
        %sign3A_531 = arith.cmpi slt, %jit3A_518, %sign3A_530 : i32
        %sign3A_532 = arith.extui %sign3A_531 : i1 to i32
        %sign3A_533 = arith.subi %sign3A_529, %sign3A_532 : i32
        %ne3A_534 = arith.cmpi ne, %sign3A_526, %sign3A_533 : i32
        %rem3A_535 = arith.remsi %add3A_517, %jit3A_518 : i32
        %ne3A_536 = arith.constant 0 : i32
        %ne3A_537 = arith.cmpi ne, %rem3A_535, %ne3A_536 : i32
        %and3A_538 = arith.andi %ne3A_534, %ne3A_537 : i1
        %sub3A_539 = arith.constant 1 : i32
        %sub3A_540 = arith.subi %div3A_519, %sub3A_539 : i32
        %select_n3A_541 = arith.select %and3A_538, %sub3A_540, %div3A_519 : i32
        %jit3A_542 = arith.constant 8 : i32
        %eq3A_543 = arith.constant 0 : i32
        %eq3A_544 = arith.cmpi eq, %jit3A_542, %eq3A_543 : i32
        %jit3A_545 = arith.constant 1 : i32
        %select_n3A_546 = arith.select %eq3A_544, %jit3A_545, %jit3A_542 : i32
        %rem3A_547 = arith.remsi %add3A_517, %select_n3A_546 : i32
        %ne3A_548 = arith.constant 0 : i32
        %ne3A_549 = arith.cmpi ne, %rem3A_547, %ne3A_548 : i32
        %lt3A_550 = arith.constant 0 : i32
        %lt3A_551 = arith.cmpi slt, %rem3A_547, %lt3A_550 : i32
        %lt3A_552 = arith.constant 0 : i32
        %lt3A_553 = arith.cmpi slt, %select_n3A_546, %lt3A_552 : i32
        %ne3A_554 = arith.xori %lt3A_551, %lt3A_553 : i1
        %and3A_555 = arith.andi %ne3A_554, %ne3A_549 : i1
        %add3A_556 = arith.addi %rem3A_547, %select_n3A_546 : i32
        %select_n3A_557 = arith.select %and3A_555, %add3A_556, %rem3A_547 : i32
        %dma_start3A_558 = arith.constant 1 : i32
        %dma_start3A_559 = arith.constant 1 : i32
        %dma_start3A_560 = arith.constant 0 : i32
        %dma_start3A_561 = arith.constant 0 : i32
        %dma_start3A_562 = tpu.memref_slice %arg6[%dma_start3A_558, %dma_start3A_560, %dma_start3A_561] : memref<2x128x128xf32, #tpu.memory_space<vmem>> -> memref<1x128x128xf32, #tpu.memory_space<vmem>>
        %dma_start3A_563 = tpu.memref_squeeze %dma_start3A_562 : memref<1x128x128xf32, #tpu.memory_space<vmem>> -> memref<128x128xf32, #tpu.memory_space<vmem>>
        %dma_start3A_564 = arith.constant 0 : i32
        %dma_start3A_565 = tpu.memref_slice %arg5[%select_n3A_541, %select_n3A_557, %dma_start3A_564] : memref<25x8x128xi32, #tpu.memory_space<vmem>> -> memref<1x1x128xi32, #tpu.memory_space<vmem>>
        %dma_start3A_566 = tpu.memref_squeeze %dma_start3A_565 : memref<1x1x128xi32, #tpu.memory_space<vmem>> -> memref<128xi32, #tpu.memory_space<vmem>>
        %dma_start3A_567 = arith.constant 0 : i32
        %dma_start3A_568 = arith.constant 0 : i32
        %dma_start3A_569 = tpu.memref_slice %arg3[%dma_start3A_567, %dma_start3A_568] : memref<1000000x128xf32, #tpu.memory_space<hbm>> -> memref<1000000x128xf32, #tpu.memory_space<hbm>>
        %dma_start3A_570 = tpu.memref_slice %arg8[%dma_start3A_559] : memref<2x!tpu.dma_semaphore, #tpu.memory_space<semaphore_mem>> -> memref<1x!tpu.dma_semaphore, #tpu.memory_space<semaphore_mem>>
        %dma_start3A_571 = tpu.memref_squeeze %dma_start3A_570 : memref<1x!tpu.dma_semaphore, #tpu.memory_space<semaphore_mem>> -> memref<!tpu.dma_semaphore, #tpu.memory_space<semaphore_mem>>
        tpu.enqueue_indirect_dma source(%dma_start3A_569 : memref<1000000x128xf32, #tpu.memory_space<hbm>>) target(%dma_start3A_563 : memref<128x128xf32, #tpu.memory_space<vmem>>) offsets(%dma_start3A_566 : memref<128xi32, #tpu.memory_space<vmem>>) semaphore(%dma_start3A_571 : memref<!tpu.dma_semaphore, #tpu.memory_space<semaphore_mem>>)
      } else {
      }
      %ge3A = arith.constant 2 : i32
      %ge3A_380 = arith.cmpi sge, %add3A_320, %ge3A : i32
      %convert_element_type3A_381 = arith.extui %ge3A_380 : i1 to i32
      %cond3A_382 = arith.constant 0 : i32
      %cond3A_383 = arith.cmpi ne, %convert_element_type3A_381, %cond3A_382 : i32
      scf.if %cond3A_383 {
        %sub3A_516 = arith.constant 2 : i32
        %sub3A_517 = arith.subi %add3A_320, %sub3A_516 : i32
        %dma_wait3A_518 = arith.constant 0 : i32
        %dma_wait3A_519 = arith.constant 0 : i32
        %dma_wait3A_520 = arith.constant 0 : i32
        %dma_wait3A_521 = arith.constant 0 : i32
        %dma_wait3A_522 = arith.constant 0 : i32
        %dma_wait3A_523 = tpu.memref_slice %arg7[%dma_wait3A_518, %dma_wait3A_520, %dma_wait3A_521, %dma_wait3A_522] : memref<2x8x8x129xf32, #tpu.memory_space<vmem>> -> memref<1x8x8x128xf32, #tpu.memory_space<vmem>>
        %dma_wait3A_524 = tpu.memref_squeeze %dma_wait3A_523 : memref<1x8x8x128xf32, #tpu.memory_space<vmem>> -> memref<8x8x128xf32, #tpu.memory_space<vmem>>
        %dma_wait3A_525 = arith.constant 0 : i32
        %dma_wait3A_526 = arith.constant 0 : i32
        %dma_wait3A_527 = arith.constant 0 : i32
        %dma_wait3A_528 = tpu.memref_slice %arg4[%sub3A_517, %dma_wait3A_525, %add3A, %dma_wait3A_526, %dma_wait3A_527] : memref<200x8x32x8x128xf32, #tpu.memory_space<hbm>> -> memref<1x8x1x8x128xf32, #tpu.memory_space<hbm>>
        %dma_wait3A_529 = tpu.memref_squeeze %dma_wait3A_528 : memref<1x8x1x8x128xf32, #tpu.memory_space<hbm>> -> memref<8x8x128xf32, #tpu.memory_space<hbm>>
        %dma_wait3A_530 = tpu.memref_slice %arg9[%dma_wait3A_519] : memref<2x!tpu.dma_semaphore, #tpu.memory_space<semaphore_mem>> -> memref<1x!tpu.dma_semaphore, #tpu.memory_space<semaphore_mem>>
        %dma_wait3A_531 = tpu.memref_squeeze %dma_wait3A_530 : memref<1x!tpu.dma_semaphore, #tpu.memory_space<semaphore_mem>> -> memref<!tpu.dma_semaphore, #tpu.memory_space<semaphore_mem>>
        %dma_wait3A_532 = arith.constant 0 : i32
        %dma_wait3A_533 = arith.constant 0 : i32
        %dma_wait3A_534 = arith.constant 0 : i32
        %dma_wait3A_535 = tpu.memref_slice %arg4[%sub3A_517, %dma_wait3A_532, %add3A, %dma_wait3A_533, %dma_wait3A_534] : memref<200x8x32x8x128xf32, #tpu.memory_space<hbm>> -> memref<1x8x1x8x128xf32, #tpu.memory_space<hbm>>
        %dma_wait3A_536 = tpu.memref_squeeze %dma_wait3A_535 : memref<1x8x1x8x128xf32, #tpu.memory_space<hbm>> -> memref<8x8x128xf32, #tpu.memory_space<hbm>>
        %dma_wait3A_537 = arith.constant 0 : i32
        %dma_wait3A_538 = arith.constant 0 : i32
        %dma_wait3A_539 = arith.constant 0 : i32
        %dma_wait3A_540 = tpu.memref_slice %arg7[%dma_wait3A_518, %dma_wait3A_537, %dma_wait3A_538, %dma_wait3A_539] : memref<2x8x8x129xf32, #tpu.memory_space<vmem>> -> memref<1x8x8x128xf32, #tpu.memory_space<vmem>>
        %dma_wait3A_541 = tpu.memref_squeeze %dma_wait3A_540 : memref<1x8x8x128xf32, #tpu.memory_space<vmem>> -> memref<8x8x128xf32, #tpu.memory_space<vmem>>
        tpu.wait_dma2 semaphore(%dma_wait3A_531 : memref<!tpu.dma_semaphore, #tpu.memory_space<semaphore_mem>>) src(%dma_wait3A_541 : memref<8x8x128xf32, #tpu.memory_space<vmem>>) dst(%dma_wait3A_536 : memref<8x8x128xf32, #tpu.memory_space<hbm>>)
      } else {
      }
      %scan3A_384 = arith.constant 0 : i32
      %scan3A_385 = arith.constant 0 : i32
      %scan3A_386 = arith.constant 0 : i32
      %scan3A_387 = arith.constant 32 : i32
      %scan3A_388 = arith.addi %scan3A_386, %scan3A_387 : i32
      %scan3A_389 = arith.constant 1 : i32
      scf.for %scan3A_516 = %scan3A_386 to %scan3A_388 step %scan3A_389  : i32 {
        %mul3A_517 = arith.constant 4 : i32
        %mul3A_518 = arith.muli %scan3A_516, %mul3A_517 : i32
        %add3A_519 = arith.constant 0 : i32
        %add3A_520 = arith.addi %mul3A_518, %add3A_519 : i32
        %broadcast_in_dim3A = arith.constant 0 : i32
        %broadcast_in_dim3A_521 = vector.broadcast %broadcast_in_dim3A : i32 to vector<16xi32>
        %add3A_522 = vector.broadcast %add3A_520 : i32 to vector<16xi32>
        %add3A_523 = arith.addi %broadcast_in_dim3A_521, %add3A_522 : vector<16xi32>
        %get3A = arith.constant 0 : i32
        %get3A_524 = arith.index_cast %get3A : i32 to index
        %get3A_525 = arith.index_cast %add3A_520 : i32 to index
        %get3A_526 = arith.constant 0 : index
        %get3A_527 = tpu.vector_load %arg6[%get3A_524, %get3A_525, %get3A_526] {strides = array<i32>} : memref<2x128x128xf32, #tpu.memory_space<vmem>>, vector<16xf32>,
        %get3A_528 = arith.constant 0 : i32
        %get3A_529 = arith.index_cast %get3A_528 : i32 to index
        %get3A_530 = arith.index_cast %add3A_520 : i32 to index
        %get3A_531 = arith.constant 16 : index
        %get3A_532 = tpu.vector_load %arg6[%get3A_529, %get3A_530, %get3A_531] {strides = array<i32>} : memref<2x128x128xf32, #tpu.memory_space<vmem>>, vector<16xf32>,
        %get3A_533 = arith.constant 0 : i32
        %get3A_534 = arith.index_cast %get3A_533 : i32 to index
        %get3A_535 = arith.index_cast %add3A_520 : i32 to index
        %get3A_536 = arith.constant 32 : index
        %get3A_537 = tpu.vector_load %arg6[%get3A_534, %get3A_535, %get3A_536] {strides = array<i32>} : memref<2x128x128xf32, #tpu.memory_space<vmem>>, vector<16xf32>,
        %get3A_538 = arith.constant 0 : i32
        %get3A_539 = arith.index_cast %get3A_538 : i32 to index
        %get3A_540 = arith.index_cast %add3A_520 : i32 to index
        %get3A_541 = arith.constant 48 : index
        %get3A_542 = tpu.vector_load %arg6[%get3A_539, %get3A_540, %get3A_541] {strides = array<i32>} : memref<2x128x128xf32, #tpu.memory_space<vmem>>, vector<16xf32>,
        %scatter3A = arith.constant 0 : i32
        %scatter3A_543 = arith.constant 0 : i32
        %scatter3A_544 = arith.constant 0 : i32
        %scatter3A_545 = tpu.memref_slice %arg7[%scan3A_385, %scatter3A, %scatter3A_543, %scatter3A_544] : memref<2x8x8x129xf32, #tpu.memory_space<vmem>> -> memref<1x8x8x129xf32, #tpu.memory_space<vmem>>
        %scatter3A_546 = tpu.memref_squeeze %scatter3A_545 : memref<1x8x8x129xf32, #tpu.memory_space<vmem>> -> memref<8x8x129xf32, #tpu.memory_space<vmem>>
        tpu.vector_store_idx %scatter3A_546[%select_n3A, %select_n3A_169, %add3A_523], %get3A_527 : memref<8x8x129xf32, #tpu.memory_space<vmem>>[vector<16xi32>, vector<16xi32>, vector<16xi32>], vector<16xf32>,
        %scatter3A_547 = arith.constant 0 : i32
        %scatter3A_548 = arith.constant 0 : i32
        %scatter3A_549 = arith.constant 0 : i32
        %scatter3A_550 = tpu.memref_slice %arg7[%scan3A_385, %scatter3A_547, %scatter3A_548, %scatter3A_549] : memref<2x8x8x129xf32, #tpu.memory_space<vmem>> -> memref<1x8x8x129xf32, #tpu.memory_space<vmem>>
        %scatter3A_551 = tpu.memref_squeeze %scatter3A_550 : memref<1x8x8x129xf32, #tpu.memory_space<vmem>> -> memref<8x8x129xf32, #tpu.memory_space<vmem>>
        tpu.vector_store_idx %scatter3A_551[%select_n3A_78, %select_n3A_194, %add3A_523], %get3A_532 : memref<8x8x129xf32, #tpu.memory_space<vmem>>[vector<16xi32>, vector<16xi32>, vector<16xi32>], vector<16xf32>,
        %scatter3A_552 = arith.constant 0 : i32
        %scatter3A_553 = arith.constant 0 : i32
        %scatter3A_554 = arith.constant 0 : i32
        %scatter3A_555 = tpu.memref_slice %arg7[%scan3A_385, %scatter3A_552, %scatter3A_553, %scatter3A_554] : memref<2x8x8x129xf32, #tpu.memory_space<vmem>> -> memref<1x8x8x129xf32, #tpu.memory_space<vmem>>
        %scatter3A_556 = tpu.memref_squeeze %scatter3A_555 : memref<1x8x8x129xf32, #tpu.memory_space<vmem>> -> memref<8x8x129xf32, #tpu.memory_space<vmem>>
        tpu.vector_store_idx %scatter3A_556[%select_n3A_112, %select_n3A_219, %add3A_523], %get3A_537 : memref<8x8x129xf32, #tpu.memory_space<vmem>>[vector<16xi32>, vector<16xi32>, vector<16xi32>], vector<16xf32>,
        %scatter3A_557 = arith.constant 0 : i32
        %scatter3A_558 = arith.constant 0 : i32
        %scatter3A_559 = arith.constant 0 : i32
        %scatter3A_560 = tpu.memref_slice %arg7[%scan3A_385, %scatter3A_557, %scatter3A_558, %scatter3A_559] : memref<2x8x8x129xf32, #tpu.memory_space<vmem>> -> memref<1x8x8x129xf32, #tpu.memory_space<vmem>>
        %scatter3A_561 = tpu.memref_squeeze %scatter3A_560 : memref<1x8x8x129xf32, #tpu.memory_space<vmem>> -> memref<8x8x129xf32, #tpu.memory_space<vmem>>
        tpu.vector_store_idx %scatter3A_561[%select_n3A_146, %select_n3A_244, %add3A_523], %get3A_542 : memref<8x8x129xf32, #tpu.memory_space<vmem>>[vector<16xi32>, vector<16xi32>, vector<16xi32>], vector<16xf32>,
        %add3A_562 = arith.constant 1 : i32
        %add3A_563 = arith.addi %mul3A_518, %add3A_562 : i32
        %broadcast_in_dim3A_564 = arith.constant 0 : i32
        %broadcast_in_dim3A_565 = vector.broadcast %broadcast_in_dim3A_564 : i32 to vector<16xi32>
        %add3A_566 = vector.broadcast %add3A_563 : i32 to vector<16xi32>
        %add3A_567 = arith.addi %broadcast_in_dim3A_565, %add3A_566 : vector<16xi32>
        %get3A_568 = arith.constant 0 : i32
        %get3A_569 = arith.index_cast %get3A_568 : i32 to index
        %get3A_570 = arith.index_cast %add3A_563 : i32 to index
        %get3A_571 = arith.constant 0 : index
        %get3A_572 = tpu.vector_load %arg6[%get3A_569, %get3A_570, %get3A_571] {strides = array<i32>} : memref<2x128x128xf32, #tpu.memory_space<vmem>>, vector<16xf32>,
        %get3A_573 = arith.constant 0 : i32
        %get3A_574 = arith.index_cast %get3A_573 : i32 to index
        %get3A_575 = arith.index_cast %add3A_563 : i32 to index
        %get3A_576 = arith.constant 16 : index
        %get3A_577 = tpu.vector_load %arg6[%get3A_574, %get3A_575, %get3A_576] {strides = array<i32>} : memref<2x128x128xf32, #tpu.memory_space<vmem>>, vector<16xf32>,
        %get3A_578 = arith.constant 0 : i32
        %get3A_579 = arith.index_cast %get3A_578 : i32 to index
        %get3A_580 = arith.index_cast %add3A_563 : i32 to index
        %get3A_581 = arith.constant 32 : index
        %get3A_582 = tpu.vector_load %arg6[%get3A_579, %get3A_580, %get3A_581] {strides = array<i32>} : memref<2x128x128xf32, #tpu.memory_space<vmem>>, vector<16xf32>,
        %get3A_583 = arith.constant 0 : i32
        %get3A_584 = arith.index_cast %get3A_583 : i32 to index
        %get3A_585 = arith.index_cast %add3A_563 : i32 to index
        %get3A_586 = arith.constant 48 : index
        %get3A_587 = tpu.vector_load %arg6[%get3A_584, %get3A_585, %get3A_586] {strides = array<i32>} : memref<2x128x128xf32, #tpu.memory_space<vmem>>, vector<16xf32>,
        %scatter3A_588 = arith.constant 0 : i32
        %scatter3A_589 = arith.constant 0 : i32
        %scatter3A_590 = arith.constant 0 : i32
        %scatter3A_591 = tpu.memref_slice %arg7[%scan3A_385, %scatter3A_588, %scatter3A_589, %scatter3A_590] : memref<2x8x8x129xf32, #tpu.memory_space<vmem>> -> memref<1x8x8x129xf32, #tpu.memory_space<vmem>>
        %scatter3A_592 = tpu.memref_squeeze %scatter3A_591 : memref<1x8x8x129xf32, #tpu.memory_space<vmem>> -> memref<8x8x129xf32, #tpu.memory_space<vmem>>
        tpu.vector_store_idx %scatter3A_592[%select_n3A, %select_n3A_169, %add3A_567], %get3A_572 : memref<8x8x129xf32, #tpu.memory_space<vmem>>[vector<16xi32>, vector<16xi32>, vector<16xi32>], vector<16xf32>,
        %scatter3A_593 = arith.constant 0 : i32
        %scatter3A_594 = arith.constant 0 : i32
        %scatter3A_595 = arith.constant 0 : i32
        %scatter3A_596 = tpu.memref_slice %arg7[%scan3A_385, %scatter3A_593, %scatter3A_594, %scatter3A_595] : memref<2x8x8x129xf32, #tpu.memory_space<vmem>> -> memref<1x8x8x129xf32, #tpu.memory_space<vmem>>
        %scatter3A_597 = tpu.memref_squeeze %scatter3A_596 : memref<1x8x8x129xf32, #tpu.memory_space<vmem>> -> memref<8x8x129xf32, #tpu.memory_space<vmem>>
        tpu.vector_store_idx %scatter3A_597[%select_n3A_78, %select_n3A_194, %add3A_567], %get3A_577 : memref<8x8x129xf32, #tpu.memory_space<vmem>>[vector<16xi32>, vector<16xi32>, vector<16xi32>], vector<16xf32>,
        %scatter3A_598 = arith.constant 0 : i32
        %scatter3A_599 = arith.constant 0 : i32
        %scatter3A_600 = arith.constant 0 : i32
        %scatter3A_601 = tpu.memref_slice %arg7[%scan3A_385, %scatter3A_598, %scatter3A_599, %scatter3A_600] : memref<2x8x8x129xf32, #tpu.memory_space<vmem>> -> memref<1x8x8x129xf32, #tpu.memory_space<vmem>>
        %scatter3A_602 = tpu.memref_squeeze %scatter3A_601 : memref<1x8x8x129xf32, #tpu.memory_space<vmem>> -> memref<8x8x129xf32, #tpu.memory_space<vmem>>
        tpu.vector_store_idx %scatter3A_602[%select_n3A_112, %select_n3A_219, %add3A_567], %get3A_582 : memref<8x8x129xf32, #tpu.memory_space<vmem>>[vector<16xi32>, vector<16xi32>, vector<16xi32>], vector<16xf32>,
        %scatter3A_603 = arith.constant 0 : i32
        %scatter3A_604 = arith.constant 0 : i32
        %scatter3A_605 = arith.constant 0 : i32
        %scatter3A_606 = tpu.memref_slice %arg7[%scan3A_385, %scatter3A_603, %scatter3A_604, %scatter3A_605] : memref<2x8x8x129xf32, #tpu.memory_space<vmem>> -> memref<1x8x8x129xf32, #tpu.memory_space<vmem>>
        %scatter3A_607 = tpu.memref_squeeze %scatter3A_606 : memref<1x8x8x129xf32, #tpu.memory_space<vmem>> -> memref<8x8x129xf32, #tpu.memory_space<vmem>>
        tpu.vector_store_idx %scatter3A_607[%select_n3A_146, %select_n3A_244, %add3A_567], %get3A_587 : memref<8x8x129xf32, #tpu.memory_space<vmem>>[vector<16xi32>, vector<16xi32>, vector<16xi32>], vector<16xf32>,
        %add3A_608 = arith.constant 2 : i32
        %add3A_609 = arith.addi %mul3A_518, %add3A_608 : i32
        %broadcast_in_dim3A_610 = arith.constant 0 : i32
        %broadcast_in_dim3A_611 = vector.broadcast %broadcast_in_dim3A_610 : i32 to vector<16xi32>
        %add3A_612 = vector.broadcast %add3A_609 : i32 to vector<16xi32>
        %add3A_613 = arith.addi %broadcast_in_dim3A_611, %add3A_612 : vector<16xi32>
        %get3A_614 = arith.constant 0 : i32
        %get3A_615 = arith.index_cast %get3A_614 : i32 to index
        %get3A_616 = arith.index_cast %add3A_609 : i32 to index
        %get3A_617 = arith.constant 0 : index
        %get3A_618 = tpu.vector_load %arg6[%get3A_615, %get3A_616, %get3A_617] {strides = array<i32>} : memref<2x128x128xf32, #tpu.memory_space<vmem>>, vector<16xf32>,
        %get3A_619 = arith.constant 0 : i32
        %get3A_620 = arith.index_cast %get3A_619 : i32 to index
        %get3A_621 = arith.index_cast %add3A_609 : i32 to index
        %get3A_622 = arith.constant 16 : index
        %get3A_623 = tpu.vector_load %arg6[%get3A_620, %get3A_621, %get3A_622] {strides = array<i32>} : memref<2x128x128xf32, #tpu.memory_space<vmem>>, vector<16xf32>,
        %get3A_624 = arith.constant 0 : i32
        %get3A_625 = arith.index_cast %get3A_624 : i32 to index
        %get3A_626 = arith.index_cast %add3A_609 : i32 to index
        %get3A_627 = arith.constant 32 : index
        %get3A_628 = tpu.vector_load %arg6[%get3A_625, %get3A_626, %get3A_627] {strides = array<i32>} : memref<2x128x128xf32, #tpu.memory_space<vmem>>, vector<16xf32>,
        %get3A_629 = arith.constant 0 : i32
        %get3A_630 = arith.index_cast %get3A_629 : i32 to index
        %get3A_631 = arith.index_cast %add3A_609 : i32 to index
        %get3A_632 = arith.constant 48 : index
        %get3A_633 = tpu.vector_load %arg6[%get3A_630, %get3A_631, %get3A_632] {strides = array<i32>} : memref<2x128x128xf32, #tpu.memory_space<vmem>>, vector<16xf32>,
        %scatter3A_634 = arith.constant 0 : i32
        %scatter3A_635 = arith.constant 0 : i32
        %scatter3A_636 = arith.constant 0 : i32
        %scatter3A_637 = tpu.memref_slice %arg7[%scan3A_385, %scatter3A_634, %scatter3A_635, %scatter3A_636] : memref<2x8x8x129xf32, #tpu.memory_space<vmem>> -> memref<1x8x8x129xf32, #tpu.memory_space<vmem>>
        %scatter3A_638 = tpu.memref_squeeze %scatter3A_637 : memref<1x8x8x129xf32, #tpu.memory_space<vmem>> -> memref<8x8x129xf32, #tpu.memory_space<vmem>>
        tpu.vector_store_idx %scatter3A_638[%select_n3A, %select_n3A_169, %add3A_613], %get3A_618 : memref<8x8x129xf32, #tpu.memory_space<vmem>>[vector<16xi32>, vector<16xi32>, vector<16xi32>], vector<16xf32>,
        %scatter3A_639 = arith.constant 0 : i32
        %scatter3A_640 = arith.constant 0 : i32
        %scatter3A_641 = arith.constant 0 : i32
        %scatter3A_642 = tpu.memref_slice %arg7[%scan3A_385, %scatter3A_639, %scatter3A_640, %scatter3A_641] : memref<2x8x8x129xf32, #tpu.memory_space<vmem>> -> memref<1x8x8x129xf32, #tpu.memory_space<vmem>>
        %scatter3A_643 = tpu.memref_squeeze %scatter3A_642 : memref<1x8x8x129xf32, #tpu.memory_space<vmem>> -> memref<8x8x129xf32, #tpu.memory_space<vmem>>
        tpu.vector_store_idx %scatter3A_643[%select_n3A_78, %select_n3A_194, %add3A_613], %get3A_623 : memref<8x8x129xf32, #tpu.memory_space<vmem>>[vector<16xi32>, vector<16xi32>, vector<16xi32>], vector<16xf32>,
        %scatter3A_644 = arith.constant 0 : i32
        %scatter3A_645 = arith.constant 0 : i32
        %scatter3A_646 = arith.constant 0 : i32
        %scatter3A_647 = tpu.memref_slice %arg7[%scan3A_385, %scatter3A_644, %scatter3A_645, %scatter3A_646] : memref<2x8x8x129xf32, #tpu.memory_space<vmem>> -> memref<1x8x8x129xf32, #tpu.memory_space<vmem>>
        %scatter3A_648 = tpu.memref_squeeze %scatter3A_647 : memref<1x8x8x129xf32, #tpu.memory_space<vmem>> -> memref<8x8x129xf32, #tpu.memory_space<vmem>>
        tpu.vector_store_idx %scatter3A_648[%select_n3A_112, %select_n3A_219, %add3A_613], %get3A_628 : memref<8x8x129xf32, #tpu.memory_space<vmem>>[vector<16xi32>, vector<16xi32>, vector<16xi32>], vector<16xf32>,
        %scatter3A_649 = arith.constant 0 : i32
        %scatter3A_650 = arith.constant 0 : i32
        %scatter3A_651 = arith.constant 0 : i32
        %scatter3A_652 = tpu.memref_slice %arg7[%scan3A_385, %scatter3A_649, %scatter3A_650, %scatter3A_651] : memref<2x8x8x129xf32, #tpu.memory_space<vmem>> -> memref<1x8x8x129xf32, #tpu.memory_space<vmem>>
        %scatter3A_653 = tpu.memref_squeeze %scatter3A_652 : memref<1x8x8x129xf32, #tpu.memory_space<vmem>> -> memref<8x8x129xf32, #tpu.memory_space<vmem>>
        tpu.vector_store_idx %scatter3A_653[%select_n3A_146, %select_n3A_244, %add3A_613], %get3A_633 : memref<8x8x129xf32, #tpu.memory_space<vmem>>[vector<16xi32>, vector<16xi32>, vector<16xi32>], vector<16xf32>,
        %add3A_654 = arith.constant 3 : i32
        %add3A_655 = arith.addi %mul3A_518, %add3A_654 : i32
        %broadcast_in_dim3A_656 = arith.constant 0 : i32
        %broadcast_in_dim3A_657 = vector.broadcast %broadcast_in_dim3A_656 : i32 to vector<16xi32>
        %add3A_658 = vector.broadcast %add3A_655 : i32 to vector<16xi32>
        %add3A_659 = arith.addi %broadcast_in_dim3A_657, %add3A_658 : vector<16xi32>
        %get3A_660 = arith.constant 0 : i32
        %get3A_661 = arith.index_cast %get3A_660 : i32 to index
        %get3A_662 = arith.index_cast %add3A_655 : i32 to index
        %get3A_663 = arith.constant 0 : index
        %get3A_664 = tpu.vector_load %arg6[%get3A_661, %get3A_662, %get3A_663] {strides = array<i32>} : memref<2x128x128xf32, #tpu.memory_space<vmem>>, vector<16xf32>,
        %get3A_665 = arith.constant 0 : i32
        %get3A_666 = arith.index_cast %get3A_665 : i32 to index
        %get3A_667 = arith.index_cast %add3A_655 : i32 to index
        %get3A_668 = arith.constant 16 : index
        %get3A_669 = tpu.vector_load %arg6[%get3A_666, %get3A_667, %get3A_668] {strides = array<i32>} : memref<2x128x128xf32, #tpu.memory_space<vmem>>, vector<16xf32>,
        %get3A_670 = arith.constant 0 : i32
        %get3A_671 = arith.index_cast %get3A_670 : i32 to index
        %get3A_672 = arith.index_cast %add3A_655 : i32 to index
        %get3A_673 = arith.constant 32 : index
        %get3A_674 = tpu.vector_load %arg6[%get3A_671, %get3A_672, %get3A_673] {strides = array<i32>} : memref<2x128x128xf32, #tpu.memory_space<vmem>>, vector<16xf32>,
        %get3A_675 = arith.constant 0 : i32
        %get3A_676 = arith.index_cast %get3A_675 : i32 to index
        %get3A_677 = arith.index_cast %add3A_655 : i32 to index
        %get3A_678 = arith.constant 48 : index
        %get3A_679 = tpu.vector_load %arg6[%get3A_676, %get3A_677, %get3A_678] {strides = array<i32>} : memref<2x128x128xf32, #tpu.memory_space<vmem>>, vector<16xf32>,
        %scatter3A_680 = arith.constant 0 : i32
        %scatter3A_681 = arith.constant 0 : i32
        %scatter3A_682 = arith.constant 0 : i32
        %scatter3A_683 = tpu.memref_slice %arg7[%scan3A_385, %scatter3A_680, %scatter3A_681, %scatter3A_682] : memref<2x8x8x129xf32, #tpu.memory_space<vmem>> -> memref<1x8x8x129xf32, #tpu.memory_space<vmem>>
        %scatter3A_684 = tpu.memref_squeeze %scatter3A_683 : memref<1x8x8x129xf32, #tpu.memory_space<vmem>> -> memref<8x8x129xf32, #tpu.memory_space<vmem>>
        tpu.vector_store_idx %scatter3A_684[%select_n3A, %select_n3A_169, %add3A_659], %get3A_664 : memref<8x8x129xf32, #tpu.memory_space<vmem>>[vector<16xi32>, vector<16xi32>, vector<16xi32>], vector<16xf32>,
        %scatter3A_685 = arith.constant 0 : i32
        %scatter3A_686 = arith.constant 0 : i32
        %scatter3A_687 = arith.constant 0 : i32
        %scatter3A_688 = tpu.memref_slice %arg7[%scan3A_385, %scatter3A_685, %scatter3A_686, %scatter3A_687] : memref<2x8x8x129xf32, #tpu.memory_space<vmem>> -> memref<1x8x8x129xf32, #tpu.memory_space<vmem>>
        %scatter3A_689 = tpu.memref_squeeze %scatter3A_688 : memref<1x8x8x129xf32, #tpu.memory_space<vmem>> -> memref<8x8x129xf32, #tpu.memory_space<vmem>>
        tpu.vector_store_idx %scatter3A_689[%select_n3A_78, %select_n3A_194, %add3A_659], %get3A_669 : memref<8x8x129xf32, #tpu.memory_space<vmem>>[vector<16xi32>, vector<16xi32>, vector<16xi32>], vector<16xf32>,
        %scatter3A_690 = arith.constant 0 : i32
        %scatter3A_691 = arith.constant 0 : i32
        %scatter3A_692 = arith.constant 0 : i32
        %scatter3A_693 = tpu.memref_slice %arg7[%scan3A_385, %scatter3A_690, %scatter3A_691, %scatter3A_692] : memref<2x8x8x129xf32, #tpu.memory_space<vmem>> -> memref<1x8x8x129xf32, #tpu.memory_space<vmem>>
        %scatter3A_694 = tpu.memref_squeeze %scatter3A_693 : memref<1x8x8x129xf32, #tpu.memory_space<vmem>> -> memref<8x8x129xf32, #tpu.memory_space<vmem>>
        tpu.vector_store_idx %scatter3A_694[%select_n3A_112, %select_n3A_219, %add3A_659], %get3A_674 : memref<8x8x129xf32, #tpu.memory_space<vmem>>[vector<16xi32>, vector<16xi32>, vector<16xi32>], vector<16xf32>,
        %scatter3A_695 = arith.constant 0 : i32
        %scatter3A_696 = arith.constant 0 : i32
        %scatter3A_697 = arith.constant 0 : i32
        %scatter3A_698 = tpu.memref_slice %arg7[%scan3A_385, %scatter3A_695, %scatter3A_696, %scatter3A_697] : memref<2x8x8x129xf32, #tpu.memory_space<vmem>> -> memref<1x8x8x129xf32, #tpu.memory_space<vmem>>
        %scatter3A_699 = tpu.memref_squeeze %scatter3A_698 : memref<1x8x8x129xf32, #tpu.memory_space<vmem>> -> memref<8x8x129xf32, #tpu.memory_space<vmem>>
        tpu.vector_store_idx %scatter3A_699[%select_n3A_146, %select_n3A_244, %add3A_659], %get3A_679 : memref<8x8x129xf32, #tpu.memory_space<vmem>>[vector<16xi32>, vector<16xi32>, vector<16xi32>], vector<16xf32>,
      }
      %scan3A_390 = arith.constant 32 : i32
      %dma_start3A_391 = arith.constant 0 : i32
      %dma_start3A_392 = arith.constant 0 : i32
      %dma_start3A_393 = arith.constant 0 : i32
      %dma_start3A_394 = arith.constant 0 : i32
      %dma_start3A_395 = arith.constant 0 : i32
      %dma_start3A_396 = tpu.memref_slice %arg7[%dma_start3A_391, %dma_start3A_393, %dma_start3A_394, %dma_start3A_395] : memref<2x8x8x129xf32, #tpu.memory_space<vmem>> -> memref<1x8x8x128xf32, #tpu.memory_space<vmem>>
      %dma_start3A_397 = tpu.memref_squeeze %dma_start3A_396 : memref<1x8x8x128xf32, #tpu.memory_space<vmem>> -> memref<8x8x128xf32, #tpu.memory_space<vmem>>
      %dma_start3A_398 = arith.constant 0 : i32
      %dma_start3A_399 = arith.constant 0 : i32
      %dma_start3A_400 = arith.constant 0 : i32
      %dma_start3A_401 = tpu.memref_slice %arg4[%add3A_320, %dma_start3A_398, %add3A, %dma_start3A_399, %dma_start3A_400] : memref<200x8x32x8x128xf32, #tpu.memory_space<hbm>> -> memref<1x8x1x8x128xf32, #tpu.memory_space<hbm>>
      %dma_start3A_402 = tpu.memref_squeeze %dma_start3A_401 : memref<1x8x1x8x128xf32, #tpu.memory_space<hbm>> -> memref<8x8x128xf32, #tpu.memory_space<hbm>>
      %dma_start3A_403 = tpu.memref_slice %arg9[%dma_start3A_392] : memref<2x!tpu.dma_semaphore, #tpu.memory_space<semaphore_mem>> -> memref<1x!tpu.dma_semaphore, #tpu.memory_space<semaphore_mem>>
      %dma_start3A_404 = tpu.memref_squeeze %dma_start3A_403 : memref<1x!tpu.dma_semaphore, #tpu.memory_space<semaphore_mem>> -> memref<!tpu.dma_semaphore, #tpu.memory_space<semaphore_mem>>
      %dma_start3A_405 = arith.constant 0 : i32
      %dma_start3A_406 = arith.constant 0 : i32
      %dma_start3A_407 = arith.constant 0 : i32
      %dma_start3A_408 = tpu.memref_slice %arg4[%add3A_320, %dma_start3A_405, %add3A, %dma_start3A_406, %dma_start3A_407] : memref<200x8x32x8x128xf32, #tpu.memory_space<hbm>> -> memref<1x8x1x8x128xf32, #tpu.memory_space<hbm>>
      %dma_start3A_409 = tpu.memref_squeeze %dma_start3A_408 : memref<1x8x1x8x128xf32, #tpu.memory_space<hbm>> -> memref<8x8x128xf32, #tpu.memory_space<hbm>>
      %dma_start3A_410 = arith.constant 0 : i32
      %dma_start3A_411 = arith.constant 0 : i32
      %dma_start3A_412 = arith.constant 0 : i32
      %dma_start3A_413 = tpu.memref_slice %arg7[%dma_start3A_391, %dma_start3A_410, %dma_start3A_411, %dma_start3A_412] : memref<2x8x8x129xf32, #tpu.memory_space<vmem>> -> memref<1x8x8x128xf32, #tpu.memory_space<vmem>>
      %dma_start3A_414 = tpu.memref_squeeze %dma_start3A_413 : memref<1x8x8x128xf32, #tpu.memory_space<vmem>> -> memref<8x8x128xf32, #tpu.memory_space<vmem>>
      tpu.enqueue_dma source(%dma_start3A_414 : memref<8x8x128xf32, #tpu.memory_space<vmem>>) target(%dma_start3A_409 : memref<8x8x128xf32, #tpu.memory_space<hbm>>) target_semaphore(%dma_start3A_404 : memref<!tpu.dma_semaphore, #tpu.memory_space<semaphore_mem>>)
      %mul3A_415 = arith.constant 2 : i32
      %mul3A_416 = arith.muli %mul3A_415, %scan3A_316 : i32
      %add3A_417 = arith.constant 1 : i32
      %add3A_418 = arith.addi %mul3A_416, %add3A_417 : i32
      %jit3A_419 = arith.constant 8 : i32
      %div3A_420 = arith.divsi %add3A_418, %jit3A_419 : i32
      %sign3A_421 = arith.constant 0 : i32
      %sign3A_422 = arith.cmpi sgt, %add3A_418, %sign3A_421 : i32
      %sign3A_423 = arith.extui %sign3A_422 : i1 to i32
      %sign3A_424 = arith.constant 0 : i32
      %sign3A_425 = arith.cmpi slt, %add3A_418, %sign3A_424 : i32
      %sign3A_426 = arith.extui %sign3A_425 : i1 to i32
      %sign3A_427 = arith.subi %sign3A_423, %sign3A_426 : i32
      %sign3A_428 = arith.constant 0 : i32
      %sign3A_429 = arith.cmpi sgt, %jit3A_419, %sign3A_428 : i32
      %sign3A_430 = arith.extui %sign3A_429 : i1 to i32
      %sign3A_431 = arith.constant 0 : i32
      %sign3A_432 = arith.cmpi slt, %jit3A_419, %sign3A_431 : i32
      %sign3A_433 = arith.extui %sign3A_432 : i1 to i32
      %sign3A_434 = arith.subi %sign3A_430, %sign3A_433 : i32
      %ne3A_435 = arith.cmpi ne, %sign3A_427, %sign3A_434 : i32
      %rem3A_436 = arith.remsi %add3A_418, %jit3A_419 : i32
      %ne3A_437 = arith.constant 0 : i32
      %ne3A_438 = arith.cmpi ne, %rem3A_436, %ne3A_437 : i32
      %and3A_439 = arith.andi %ne3A_435, %ne3A_438 : i1
      %sub3A_440 = arith.constant 1 : i32
      %sub3A_441 = arith.subi %div3A_420, %sub3A_440 : i32
      %select_n3A_442 = arith.select %and3A_439, %sub3A_441, %div3A_420 : i32
      %jit3A_443 = arith.constant 8 : i32
      %eq3A_444 = arith.constant 0 : i32
      %eq3A_445 = arith.cmpi eq, %jit3A_443, %eq3A_444 : i32
      %jit3A_446 = arith.constant 1 : i32
      %select_n3A_447 = arith.select %eq3A_445, %jit3A_446, %jit3A_443 : i32
      %rem3A_448 = arith.remsi %add3A_418, %select_n3A_447 : i32
      %ne3A_449 = arith.constant 0 : i32
      %ne3A_450 = arith.cmpi ne, %rem3A_448, %ne3A_449 : i32
      %lt3A_451 = arith.constant 0 : i32
      %lt3A_452 = arith.cmpi slt, %rem3A_448, %lt3A_451 : i32
      %lt3A_453 = arith.constant 0 : i32
      %lt3A_454 = arith.cmpi slt, %select_n3A_447, %lt3A_453 : i32
      %ne3A_455 = arith.xori %lt3A_452, %lt3A_454 : i1
      %and3A_456 = arith.andi %ne3A_455, %ne3A_450 : i1
      %add3A_457 = arith.addi %rem3A_448, %select_n3A_447 : i32
      %select_n3A_458 = arith.select %and3A_456, %add3A_457, %rem3A_448 : i32
      %dma_wait3A_459 = arith.constant 1 : i32
      %dma_wait3A_460 = arith.constant 1 : i32
      %dma_wait3A_461 = arith.constant 0 : i32
      %dma_wait3A_462 = arith.constant 0 : i32
      %dma_wait3A_463 = tpu.memref_slice %arg6[%dma_wait3A_459, %dma_wait3A_461, %dma_wait3A_462] : memref<2x128x128xf32, #tpu.memory_space<vmem>> -> memref<1x128x128xf32, #tpu.memory_space<vmem>>
      %dma_wait3A_464 = tpu.memref_squeeze %dma_wait3A_463 : memref<1x128x128xf32, #tpu.memory_space<vmem>> -> memref<128x128xf32, #tpu.memory_space<vmem>>
      %dma_wait3A_465 = arith.constant 0 : i32
      %dma_wait3A_466 = tpu.memref_slice %arg5[%select_n3A_442, %select_n3A_458, %dma_wait3A_465] : memref<25x8x128xi32, #tpu.memory_space<vmem>> -> memref<1x1x128xi32, #tpu.memory_space<vmem>>
      %dma_wait3A_467 = tpu.memref_squeeze %dma_wait3A_466 : memref<1x1x128xi32, #tpu.memory_space<vmem>> -> memref<128xi32, #tpu.memory_space<vmem>>
      %dma_wait3A_468 = arith.constant 0 : i32
      %dma_wait3A_469 = arith.constant 0 : i32
      %dma_wait3A_470 = tpu.memref_slice %arg3[%dma_wait3A_468, %dma_wait3A_469] : memref<1000000x128xf32, #tpu.memory_space<hbm>> -> memref<1000000x128xf32, #tpu.memory_space<hbm>>
      %dma_wait3A_471 = tpu.memref_slice %arg8[%dma_wait3A_460] : memref<2x!tpu.dma_semaphore, #tpu.memory_space<semaphore_mem>> -> memref<1x!tpu.dma_semaphore, #tpu.memory_space<semaphore_mem>>
      %dma_wait3A_472 = tpu.memref_squeeze %dma_wait3A_471 : memref<1x!tpu.dma_semaphore, #tpu.memory_space<semaphore_mem>> -> memref<!tpu.dma_semaphore, #tpu.memory_space<semaphore_mem>>
      tpu.wait_indirect_dma semaphore(%dma_wait3A_472 : memref<!tpu.dma_semaphore, #tpu.memory_space<semaphore_mem>>) src(%dma_wait3A_470 : memref<1000000x128xf32, #tpu.memory_space<hbm>>) dst(%dma_wait3A_464 : memref<128x128xf32, #tpu.memory_space<vmem>>)
      %add3A_473 = arith.constant 1 : i32
      %add3A_474 = arith.addi %add3A_418, %add3A_473 : i32
      %lt3A_475 = arith.constant 200 : i32
      %lt3A_476 = arith.cmpi slt, %add3A_474, %lt3A_475 : i32
      %convert_element_type3A_477 = arith.extui %lt3A_476 : i1 to i32
      %cond3A_478 = arith.constant 0 : i32
      %cond3A_479 = arith.cmpi ne, %convert_element_type3A_477, %cond3A_478 : i32
      scf.if %cond3A_479 {
        %add3A_516 = arith.constant 1 : i32
        %add3A_517 = arith.addi %add3A_418, %add3A_516 : i32
        %jit3A_518 = arith.constant 8 : i32
        %div3A_519 = arith.divsi %add3A_517, %jit3A_518 : i32
        %sign3A_520 = arith.constant 0 : i32
        %sign3A_521 = arith.cmpi sgt, %add3A_517, %sign3A_520 : i32
        %sign3A_522 = arith.extui %sign3A_521 : i1 to i32
        %sign3A_523 = arith.constant 0 : i32
        %sign3A_524 = arith.cmpi slt, %add3A_517, %sign3A_523 : i32
        %sign3A_525 = arith.extui %sign3A_524 : i1 to i32
        %sign3A_526 = arith.subi %sign3A_522, %sign3A_525 : i32
        %sign3A_527 = arith.constant 0 : i32
        %sign3A_528 = arith.cmpi sgt, %jit3A_518, %sign3A_527 : i32
        %sign3A_529 = arith.extui %sign3A_528 : i1 to i32
        %sign3A_530 = arith.constant 0 : i32
        %sign3A_531 = arith.cmpi slt, %jit3A_518, %sign3A_530 : i32
        %sign3A_532 = arith.extui %sign3A_531 : i1 to i32
        %sign3A_533 = arith.subi %sign3A_529, %sign3A_532 : i32
        %ne3A_534 = arith.cmpi ne, %sign3A_526, %sign3A_533 : i32
        %rem3A_535 = arith.remsi %add3A_517, %jit3A_518 : i32
        %ne3A_536 = arith.constant 0 : i32
        %ne3A_537 = arith.cmpi ne, %rem3A_535, %ne3A_536 : i32
        %and3A_538 = arith.andi %ne3A_534, %ne3A_537 : i1
        %sub3A_539 = arith.constant 1 : i32
        %sub3A_540 = arith.subi %div3A_519, %sub3A_539 : i32
        %select_n3A_541 = arith.select %and3A_538, %sub3A_540, %div3A_519 : i32
        %jit3A_542 = arith.constant 8 : i32
        %eq3A_543 = arith.constant 0 : i32
        %eq3A_544 = arith.cmpi eq, %jit3A_542, %eq3A_543 : i32
        %jit3A_545 = arith.constant 1 : i32
        %select_n3A_546 = arith.select %eq3A_544, %jit3A_545, %jit3A_542 : i32
        %rem3A_547 = arith.remsi %add3A_517, %select_n3A_546 : i32
        %ne3A_548 = arith.constant 0 : i32
        %ne3A_549 = arith.cmpi ne, %rem3A_547, %ne3A_548 : i32
        %lt3A_550 = arith.constant 0 : i32
        %lt3A_551 = arith.cmpi slt, %rem3A_547, %lt3A_550 : i32
        %lt3A_552 = arith.constant 0 : i32
        %lt3A_553 = arith.cmpi slt, %select_n3A_546, %lt3A_552 : i32
        %ne3A_554 = arith.xori %lt3A_551, %lt3A_553 : i1
        %and3A_555 = arith.andi %ne3A_554, %ne3A_549 : i1
        %add3A_556 = arith.addi %rem3A_547, %select_n3A_546 : i32
        %select_n3A_557 = arith.select %and3A_555, %add3A_556, %rem3A_547 : i32
        %dma_start3A_558 = arith.constant 0 : i32
        %dma_start3A_559 = arith.constant 0 : i32
        %dma_start3A_560 = arith.constant 0 : i32
        %dma_start3A_561 = arith.constant 0 : i32
        %dma_start3A_562 = tpu.memref_slice %arg6[%dma_start3A_558, %dma_start3A_560, %dma_start3A_561] : memref<2x128x128xf32, #tpu.memory_space<vmem>> -> memref<1x128x128xf32, #tpu.memory_space<vmem>>
        %dma_start3A_563 = tpu.memref_squeeze %dma_start3A_562 : memref<1x128x128xf32, #tpu.memory_space<vmem>> -> memref<128x128xf32, #tpu.memory_space<vmem>>
        %dma_start3A_564 = arith.constant 0 : i32
        %dma_start3A_565 = tpu.memref_slice %arg5[%select_n3A_541, %select_n3A_557, %dma_start3A_564] : memref<25x8x128xi32, #tpu.memory_space<vmem>> -> memref<1x1x128xi32, #tpu.memory_space<vmem>>
        %dma_start3A_566 = tpu.memref_squeeze %dma_start3A_565 : memref<1x1x128xi32, #tpu.memory_space<vmem>> -> memref<128xi32, #tpu.memory_space<vmem>>
        %dma_start3A_567 = arith.constant 0 : i32
        %dma_start3A_568 = arith.constant 0 : i32
        %dma_start3A_569 = tpu.memref_slice %arg3[%dma_start3A_567, %dma_start3A_568] : memref<1000000x128xf32, #tpu.memory_space<hbm>> -> memref<1000000x128xf32, #tpu.memory_space<hbm>>
        %dma_start3A_570 = tpu.memref_slice %arg8[%dma_start3A_559] : memref<2x!tpu.dma_semaphore, #tpu.memory_space<semaphore_mem>> -> memref<1x!tpu.dma_semaphore, #tpu.memory_space<semaphore_mem>>
        %dma_start3A_571 = tpu.memref_squeeze %dma_start3A_570 : memref<1x!tpu.dma_semaphore, #tpu.memory_space<semaphore_mem>> -> memref<!tpu.dma_semaphore, #tpu.memory_space<semaphore_mem>>
        tpu.enqueue_indirect_dma source(%dma_start3A_569 : memref<1000000x128xf32, #tpu.memory_space<hbm>>) target(%dma_start3A_563 : memref<128x128xf32, #tpu.memory_space<vmem>>) offsets(%dma_start3A_566 : memref<128xi32, #tpu.memory_space<vmem>>) semaphore(%dma_start3A_571 : memref<!tpu.dma_semaphore, #tpu.memory_space<semaphore_mem>>)
      } else {
      }
      %ge3A_480 = arith.constant 2 : i32
      %ge3A_481 = arith.cmpi sge, %add3A_418, %ge3A_480 : i32
      %convert_element_type3A_482 = arith.extui %ge3A_481 : i1 to i32
      %cond3A_483 = arith.constant 0 : i32
      %cond3A_484 = arith.cmpi ne, %convert_element_type3A_482, %cond3A_483 : i32
      scf.if %cond3A_484 {
        %sub3A_516 = arith.constant 2 : i32
        %sub3A_517 = arith.subi %add3A_418, %sub3A_516 : i32
        %dma_wait3A_518 = arith.constant 1 : i32
        %dma_wait3A_519 = arith.constant 1 : i32
        %dma_wait3A_520 = arith.constant 0 : i32
        %dma_wait3A_521 = arith.constant 0 : i32
        %dma_wait3A_522 = arith.constant 0 : i32
        %dma_wait3A_523 = tpu.memref_slice %arg7[%dma_wait3A_518, %dma_wait3A_520, %dma_wait3A_521, %dma_wait3A_522] : memref<2x8x8x129xf32, #tpu.memory_space<vmem>> -> memref<1x8x8x128xf32, #tpu.memory_space<vmem>>
        %dma_wait3A_524 = tpu.memref_squeeze %dma_wait3A_523 : memref<1x8x8x128xf32, #tpu.memory_space<vmem>> -> memref<8x8x128xf32, #tpu.memory_space<vmem>>
        %dma_wait3A_525 = arith.constant 0 : i32
        %dma_wait3A_526 = arith.constant 0 : i32
        %dma_wait3A_527 = arith.constant 0 : i32
        %dma_wait3A_528 = tpu.memref_slice %arg4[%sub3A_517, %dma_wait3A_525, %add3A, %dma_wait3A_526, %dma_wait3A_527] : memref<200x8x32x8x128xf32, #tpu.memory_space<hbm>> -> memref<1x8x1x8x128xf32, #tpu.memory_space<hbm>>
        %dma_wait3A_529 = tpu.memref_squeeze %dma_wait3A_528 : memref<1x8x1x8x128xf32, #tpu.memory_space<hbm>> -> memref<8x8x128xf32, #tpu.memory_space<hbm>>
        %dma_wait3A_530 = tpu.memref_slice %arg9[%dma_wait3A_519] : memref<2x!tpu.dma_semaphore, #tpu.memory_space<semaphore_mem>> -> memref<1x!tpu.dma_semaphore, #tpu.memory_space<semaphore_mem>>
        %dma_wait3A_531 = tpu.memref_squeeze %dma_wait3A_530 : memref<1x!tpu.dma_semaphore, #tpu.memory_space<semaphore_mem>> -> memref<!tpu.dma_semaphore, #tpu.memory_space<semaphore_mem>>
        %dma_wait3A_532 = arith.constant 0 : i32
        %dma_wait3A_533 = arith.constant 0 : i32
        %dma_wait3A_534 = arith.constant 0 : i32
        %dma_wait3A_535 = tpu.memref_slice %arg4[%sub3A_517, %dma_wait3A_532, %add3A, %dma_wait3A_533, %dma_wait3A_534] : memref<200x8x32x8x128xf32, #tpu.memory_space<hbm>> -> memref<1x8x1x8x128xf32, #tpu.memory_space<hbm>>
        %dma_wait3A_536 = tpu.memref_squeeze %dma_wait3A_535 : memref<1x8x1x8x128xf32, #tpu.memory_space<hbm>> -> memref<8x8x128xf32, #tpu.memory_space<hbm>>
        %dma_wait3A_537 = arith.constant 0 : i32
        %dma_wait3A_538 = arith.constant 0 : i32
        %dma_wait3A_539 = arith.constant 0 : i32
        %dma_wait3A_540 = tpu.memref_slice %arg7[%dma_wait3A_518, %dma_wait3A_537, %dma_wait3A_538, %dma_wait3A_539] : memref<2x8x8x129xf32, #tpu.memory_space<vmem>> -> memref<1x8x8x128xf32, #tpu.memory_space<vmem>>
        %dma_wait3A_541 = tpu.memref_squeeze %dma_wait3A_540 : memref<1x8x8x128xf32, #tpu.memory_space<vmem>> -> memref<8x8x128xf32, #tpu.memory_space<vmem>>
        tpu.wait_dma2 semaphore(%dma_wait3A_531 : memref<!tpu.dma_semaphore, #tpu.memory_space<semaphore_mem>>) src(%dma_wait3A_541 : memref<8x8x128xf32, #tpu.memory_space<vmem>>) dst(%dma_wait3A_536 : memref<8x8x128xf32, #tpu.memory_space<hbm>>)
      } else {
      }
      %scan3A_485 = arith.constant 0 : i32
      %scan3A_486 = arith.constant 1 : i32
      %scan3A_487 = arith.constant 0 : i32
      %scan3A_488 = arith.constant 32 : i32
      %scan3A_489 = arith.addi %scan3A_487, %scan3A_488 : i32
      %scan3A_490 = arith.constant 1 : i32
      scf.for %scan3A_516 = %scan3A_487 to %scan3A_489 step %scan3A_490  : i32 {
        %mul3A_517 = arith.constant 4 : i32
        %mul3A_518 = arith.muli %scan3A_516, %mul3A_517 : i32
        %add3A_519 = arith.constant 0 : i32
        %add3A_520 = arith.addi %mul3A_518, %add3A_519 : i32
        %broadcast_in_dim3A = arith.constant 0 : i32
        %broadcast_in_dim3A_521 = vector.broadcast %broadcast_in_dim3A : i32 to vector<16xi32>
        %add3A_522 = vector.broadcast %add3A_520 : i32 to vector<16xi32>
        %add3A_523 = arith.addi %broadcast_in_dim3A_521, %add3A_522 : vector<16xi32>
        %get3A = arith.constant 1 : i32
        %get3A_524 = arith.index_cast %get3A : i32 to index
        %get3A_525 = arith.index_cast %add3A_520 : i32 to index
        %get3A_526 = arith.constant 0 : index
        %get3A_527 = tpu.vector_load %arg6[%get3A_524, %get3A_525, %get3A_526] {strides = array<i32>} : memref<2x128x128xf32, #tpu.memory_space<vmem>>, vector<16xf32>,
        %get3A_528 = arith.constant 1 : i32
        %get3A_529 = arith.index_cast %get3A_528 : i32 to index
        %get3A_530 = arith.index_cast %add3A_520 : i32 to index
        %get3A_531 = arith.constant 16 : index
        %get3A_532 = tpu.vector_load %arg6[%get3A_529, %get3A_530, %get3A_531] {strides = array<i32>} : memref<2x128x128xf32, #tpu.memory_space<vmem>>, vector<16xf32>,
        %get3A_533 = arith.constant 1 : i32
        %get3A_534 = arith.index_cast %get3A_533 : i32 to index
        %get3A_535 = arith.index_cast %add3A_520 : i32 to index
        %get3A_536 = arith.constant 32 : index
        %get3A_537 = tpu.vector_load %arg6[%get3A_534, %get3A_535, %get3A_536] {strides = array<i32>} : memref<2x128x128xf32, #tpu.memory_space<vmem>>, vector<16xf32>,
        %get3A_538 = arith.constant 1 : i32
        %get3A_539 = arith.index_cast %get3A_538 : i32 to index
        %get3A_540 = arith.index_cast %add3A_520 : i32 to index
        %get3A_541 = arith.constant 48 : index
        %get3A_542 = tpu.vector_load %arg6[%get3A_539, %get3A_540, %get3A_541] {strides = array<i32>} : memref<2x128x128xf32, #tpu.memory_space<vmem>>, vector<16xf32>,
        %scatter3A = arith.constant 0 : i32
        %scatter3A_543 = arith.constant 0 : i32
        %scatter3A_544 = arith.constant 0 : i32
        %scatter3A_545 = tpu.memref_slice %arg7[%scan3A_486, %scatter3A, %scatter3A_543, %scatter3A_544] : memref<2x8x8x129xf32, #tpu.memory_space<vmem>> -> memref<1x8x8x129xf32, #tpu.memory_space<vmem>>
        %scatter3A_546 = tpu.memref_squeeze %scatter3A_545 : memref<1x8x8x129xf32, #tpu.memory_space<vmem>> -> memref<8x8x129xf32, #tpu.memory_space<vmem>>
        tpu.vector_store_idx %scatter3A_546[%select_n3A, %select_n3A_169, %add3A_523], %get3A_527 : memref<8x8x129xf32, #tpu.memory_space<vmem>>[vector<16xi32>, vector<16xi32>, vector<16xi32>], vector<16xf32>,
        %scatter3A_547 = arith.constant 0 : i32
        %scatter3A_548 = arith.constant 0 : i32
        %scatter3A_549 = arith.constant 0 : i32
        %scatter3A_550 = tpu.memref_slice %arg7[%scan3A_486, %scatter3A_547, %scatter3A_548, %scatter3A_549] : memref<2x8x8x129xf32, #tpu.memory_space<vmem>> -> memref<1x8x8x129xf32, #tpu.memory_space<vmem>>
        %scatter3A_551 = tpu.memref_squeeze %scatter3A_550 : memref<1x8x8x129xf32, #tpu.memory_space<vmem>> -> memref<8x8x129xf32, #tpu.memory_space<vmem>>
        tpu.vector_store_idx %scatter3A_551[%select_n3A_78, %select_n3A_194, %add3A_523], %get3A_532 : memref<8x8x129xf32, #tpu.memory_space<vmem>>[vector<16xi32>, vector<16xi32>, vector<16xi32>], vector<16xf32>,
        %scatter3A_552 = arith.constant 0 : i32
        %scatter3A_553 = arith.constant 0 : i32
        %scatter3A_554 = arith.constant 0 : i32
        %scatter3A_555 = tpu.memref_slice %arg7[%scan3A_486, %scatter3A_552, %scatter3A_553, %scatter3A_554] : memref<2x8x8x129xf32, #tpu.memory_space<vmem>> -> memref<1x8x8x129xf32, #tpu.memory_space<vmem>>
        %scatter3A_556 = tpu.memref_squeeze %scatter3A_555 : memref<1x8x8x129xf32, #tpu.memory_space<vmem>> -> memref<8x8x129xf32, #tpu.memory_space<vmem>>
        tpu.vector_store_idx %scatter3A_556[%select_n3A_112, %select_n3A_219, %add3A_523], %get3A_537 : memref<8x8x129xf32, #tpu.memory_space<vmem>>[vector<16xi32>, vector<16xi32>, vector<16xi32>], vector<16xf32>,
        %scatter3A_557 = arith.constant 0 : i32
        %scatter3A_558 = arith.constant 0 : i32
        %scatter3A_559 = arith.constant 0 : i32
        %scatter3A_560 = tpu.memref_slice %arg7[%scan3A_486, %scatter3A_557, %scatter3A_558, %scatter3A_559] : memref<2x8x8x129xf32, #tpu.memory_space<vmem>> -> memref<1x8x8x129xf32, #tpu.memory_space<vmem>>
        %scatter3A_561 = tpu.memref_squeeze %scatter3A_560 : memref<1x8x8x129xf32, #tpu.memory_space<vmem>> -> memref<8x8x129xf32, #tpu.memory_space<vmem>>
        tpu.vector_store_idx %scatter3A_561[%select_n3A_146, %select_n3A_244, %add3A_523], %get3A_542 : memref<8x8x129xf32, #tpu.memory_space<vmem>>[vector<16xi32>, vector<16xi32>, vector<16xi32>], vector<16xf32>,
        %add3A_562 = arith.constant 1 : i32
        %add3A_563 = arith.addi %mul3A_518, %add3A_562 : i32
        %broadcast_in_dim3A_564 = arith.constant 0 : i32
        %broadcast_in_dim3A_565 = vector.broadcast %broadcast_in_dim3A_564 : i32 to vector<16xi32>
        %add3A_566 = vector.broadcast %add3A_563 : i32 to vector<16xi32>
        %add3A_567 = arith.addi %broadcast_in_dim3A_565, %add3A_566 : vector<16xi32>
        %get3A_568 = arith.constant 1 : i32
        %get3A_569 = arith.index_cast %get3A_568 : i32 to index
        %get3A_570 = arith.index_cast %add3A_563 : i32 to index
        %get3A_571 = arith.constant 0 : index
        %get3A_572 = tpu.vector_load %arg6[%get3A_569, %get3A_570, %get3A_571] {strides = array<i32>} : memref<2x128x128xf32, #tpu.memory_space<vmem>>, vector<16xf32>,
        %get3A_573 = arith.constant 1 : i32
        %get3A_574 = arith.index_cast %get3A_573 : i32 to index
        %get3A_575 = arith.index_cast %add3A_563 : i32 to index
        %get3A_576 = arith.constant 16 : index
        %get3A_577 = tpu.vector_load %arg6[%get3A_574, %get3A_575, %get3A_576] {strides = array<i32>} : memref<2x128x128xf32, #tpu.memory_space<vmem>>, vector<16xf32>,
        %get3A_578 = arith.constant 1 : i32
        %get3A_579 = arith.index_cast %get3A_578 : i32 to index
        %get3A_580 = arith.index_cast %add3A_563 : i32 to index
        %get3A_581 = arith.constant 32 : index
        %get3A_582 = tpu.vector_load %arg6[%get3A_579, %get3A_580, %get3A_581] {strides = array<i32>} : memref<2x128x128xf32, #tpu.memory_space<vmem>>, vector<16xf32>,
        %get3A_583 = arith.constant 1 : i32
        %get3A_584 = arith.index_cast %get3A_583 : i32 to index
        %get3A_585 = arith.index_cast %add3A_563 : i32 to index
        %get3A_586 = arith.constant 48 : index
        %get3A_587 = tpu.vector_load %arg6[%get3A_584, %get3A_585, %get3A_586] {strides = array<i32>} : memref<2x128x128xf32, #tpu.memory_space<vmem>>, vector<16xf32>,
        %scatter3A_588 = arith.constant 0 : i32
        %scatter3A_589 = arith.constant 0 : i32
        %scatter3A_590 = arith.constant 0 : i32
        %scatter3A_591 = tpu.memref_slice %arg7[%scan3A_486, %scatter3A_588, %scatter3A_589, %scatter3A_590] : memref<2x8x8x129xf32, #tpu.memory_space<vmem>> -> memref<1x8x8x129xf32, #tpu.memory_space<vmem>>
        %scatter3A_592 = tpu.memref_squeeze %scatter3A_591 : memref<1x8x8x129xf32, #tpu.memory_space<vmem>> -> memref<8x8x129xf32, #tpu.memory_space<vmem>>
        tpu.vector_store_idx %scatter3A_592[%select_n3A, %select_n3A_169, %add3A_567], %get3A_572 : memref<8x8x129xf32, #tpu.memory_space<vmem>>[vector<16xi32>, vector<16xi32>, vector<16xi32>], vector<16xf32>,
        %scatter3A_593 = arith.constant 0 : i32
        %scatter3A_594 = arith.constant 0 : i32
        %scatter3A_595 = arith.constant 0 : i32
        %scatter3A_596 = tpu.memref_slice %arg7[%scan3A_486, %scatter3A_593, %scatter3A_594, %scatter3A_595] : memref<2x8x8x129xf32, #tpu.memory_space<vmem>> -> memref<1x8x8x129xf32, #tpu.memory_space<vmem>>
        %scatter3A_597 = tpu.memref_squeeze %scatter3A_596 : memref<1x8x8x129xf32, #tpu.memory_space<vmem>> -> memref<8x8x129xf32, #tpu.memory_space<vmem>>
        tpu.vector_store_idx %scatter3A_597[%select_n3A_78, %select_n3A_194, %add3A_567], %get3A_577 : memref<8x8x129xf32, #tpu.memory_space<vmem>>[vector<16xi32>, vector<16xi32>, vector<16xi32>], vector<16xf32>,
        %scatter3A_598 = arith.constant 0 : i32
        %scatter3A_599 = arith.constant 0 : i32
        %scatter3A_600 = arith.constant 0 : i32
        %scatter3A_601 = tpu.memref_slice %arg7[%scan3A_486, %scatter3A_598, %scatter3A_599, %scatter3A_600] : memref<2x8x8x129xf32, #tpu.memory_space<vmem>> -> memref<1x8x8x129xf32, #tpu.memory_space<vmem>>
        %scatter3A_602 = tpu.memref_squeeze %scatter3A_601 : memref<1x8x8x129xf32, #tpu.memory_space<vmem>> -> memref<8x8x129xf32, #tpu.memory_space<vmem>>
        tpu.vector_store_idx %scatter3A_602[%select_n3A_112, %select_n3A_219, %add3A_567], %get3A_582 : memref<8x8x129xf32, #tpu.memory_space<vmem>>[vector<16xi32>, vector<16xi32>, vector<16xi32>], vector<16xf32>,
        %scatter3A_603 = arith.constant 0 : i32
        %scatter3A_604 = arith.constant 0 : i32
        %scatter3A_605 = arith.constant 0 : i32
        %scatter3A_606 = tpu.memref_slice %arg7[%scan3A_486, %scatter3A_603, %scatter3A_604, %scatter3A_605] : memref<2x8x8x129xf32, #tpu.memory_space<vmem>> -> memref<1x8x8x129xf32, #tpu.memory_space<vmem>>
        %scatter3A_607 = tpu.memref_squeeze %scatter3A_606 : memref<1x8x8x129xf32, #tpu.memory_space<vmem>> -> memref<8x8x129xf32, #tpu.memory_space<vmem>>
        tpu.vector_store_idx %scatter3A_607[%select_n3A_146, %select_n3A_244, %add3A_567], %get3A_587 : memref<8x8x129xf32, #tpu.memory_space<vmem>>[vector<16xi32>, vector<16xi32>, vector<16xi32>], vector<16xf32>,
        %add3A_608 = arith.constant 2 : i32
        %add3A_609 = arith.addi %mul3A_518, %add3A_608 : i32
        %broadcast_in_dim3A_610 = arith.constant 0 : i32
        %broadcast_in_dim3A_611 = vector.broadcast %broadcast_in_dim3A_610 : i32 to vector<16xi32>
        %add3A_612 = vector.broadcast %add3A_609 : i32 to vector<16xi32>
        %add3A_613 = arith.addi %broadcast_in_dim3A_611, %add3A_612 : vector<16xi32>
        %get3A_614 = arith.constant 1 : i32
        %get3A_615 = arith.index_cast %get3A_614 : i32 to index
        %get3A_616 = arith.index_cast %add3A_609 : i32 to index
        %get3A_617 = arith.constant 0 : index
        %get3A_618 = tpu.vector_load %arg6[%get3A_615, %get3A_616, %get3A_617] {strides = array<i32>} : memref<2x128x128xf32, #tpu.memory_space<vmem>>, vector<16xf32>,
        %get3A_619 = arith.constant 1 : i32
        %get3A_620 = arith.index_cast %get3A_619 : i32 to index
        %get3A_621 = arith.index_cast %add3A_609 : i32 to index
        %get3A_622 = arith.constant 16 : index
        %get3A_623 = tpu.vector_load %arg6[%get3A_620, %get3A_621, %get3A_622] {strides = array<i32>} : memref<2x128x128xf32, #tpu.memory_space<vmem>>, vector<16xf32>,
        %get3A_624 = arith.constant 1 : i32
        %get3A_625 = arith.index_cast %get3A_624 : i32 to index
        %get3A_626 = arith.index_cast %add3A_609 : i32 to index
        %get3A_627 = arith.constant 32 : index
        %get3A_628 = tpu.vector_load %arg6[%get3A_625, %get3A_626, %get3A_627] {strides = array<i32>} : memref<2x128x128xf32, #tpu.memory_space<vmem>>, vector<16xf32>,
        %get3A_629 = arith.constant 1 : i32
        %get3A_630 = arith.index_cast %get3A_629 : i32 to index
        %get3A_631 = arith.index_cast %add3A_609 : i32 to index
        %get3A_632 = arith.constant 48 : index
        %get3A_633 = tpu.vector_load %arg6[%get3A_630, %get3A_631, %get3A_632] {strides = array<i32>} : memref<2x128x128xf32, #tpu.memory_space<vmem>>, vector<16xf32>,
        %scatter3A_634 = arith.constant 0 : i32
        %scatter3A_635 = arith.constant 0 : i32
        %scatter3A_636 = arith.constant 0 : i32
        %scatter3A_637 = tpu.memref_slice %arg7[%scan3A_486, %scatter3A_634, %scatter3A_635, %scatter3A_636] : memref<2x8x8x129xf32, #tpu.memory_space<vmem>> -> memref<1x8x8x129xf32, #tpu.memory_space<vmem>>
        %scatter3A_638 = tpu.memref_squeeze %scatter3A_637 : memref<1x8x8x129xf32, #tpu.memory_space<vmem>> -> memref<8x8x129xf32, #tpu.memory_space<vmem>>
        tpu.vector_store_idx %scatter3A_638[%select_n3A, %select_n3A_169, %add3A_613], %get3A_618 : memref<8x8x129xf32, #tpu.memory_space<vmem>>[vector<16xi32>, vector<16xi32>, vector<16xi32>], vector<16xf32>,
        %scatter3A_639 = arith.constant 0 : i32
        %scatter3A_640 = arith.constant 0 : i32
        %scatter3A_641 = arith.constant 0 : i32
        %scatter3A_642 = tpu.memref_slice %arg7[%scan3A_486, %scatter3A_639, %scatter3A_640, %scatter3A_641] : memref<2x8x8x129xf32, #tpu.memory_space<vmem>> -> memref<1x8x8x129xf32, #tpu.memory_space<vmem>>
        %scatter3A_643 = tpu.memref_squeeze %scatter3A_642 : memref<1x8x8x129xf32, #tpu.memory_space<vmem>> -> memref<8x8x129xf32, #tpu.memory_space<vmem>>
        tpu.vector_store_idx %scatter3A_643[%select_n3A_78, %select_n3A_194, %add3A_613], %get3A_623 : memref<8x8x129xf32, #tpu.memory_space<vmem>>[vector<16xi32>, vector<16xi32>, vector<16xi32>], vector<16xf32>,
        %scatter3A_644 = arith.constant 0 : i32
        %scatter3A_645 = arith.constant 0 : i32
        %scatter3A_646 = arith.constant 0 : i32
        %scatter3A_647 = tpu.memref_slice %arg7[%scan3A_486, %scatter3A_644, %scatter3A_645, %scatter3A_646] : memref<2x8x8x129xf32, #tpu.memory_space<vmem>> -> memref<1x8x8x129xf32, #tpu.memory_space<vmem>>
        %scatter3A_648 = tpu.memref_squeeze %scatter3A_647 : memref<1x8x8x129xf32, #tpu.memory_space<vmem>> -> memref<8x8x129xf32, #tpu.memory_space<vmem>>
        tpu.vector_store_idx %scatter3A_648[%select_n3A_112, %select_n3A_219, %add3A_613], %get3A_628 : memref<8x8x129xf32, #tpu.memory_space<vmem>>[vector<16xi32>, vector<16xi32>, vector<16xi32>], vector<16xf32>,
        %scatter3A_649 = arith.constant 0 : i32
        %scatter3A_650 = arith.constant 0 : i32
        %scatter3A_651 = arith.constant 0 : i32
        %scatter3A_652 = tpu.memref_slice %arg7[%scan3A_486, %scatter3A_649, %scatter3A_650, %scatter3A_651] : memref<2x8x8x129xf32, #tpu.memory_space<vmem>> -> memref<1x8x8x129xf32, #tpu.memory_space<vmem>>
        %scatter3A_653 = tpu.memref_squeeze %scatter3A_652 : memref<1x8x8x129xf32, #tpu.memory_space<vmem>> -> memref<8x8x129xf32, #tpu.memory_space<vmem>>
        tpu.vector_store_idx %scatter3A_653[%select_n3A_146, %select_n3A_244, %add3A_613], %get3A_633 : memref<8x8x129xf32, #tpu.memory_space<vmem>>[vector<16xi32>, vector<16xi32>, vector<16xi32>], vector<16xf32>,
        %add3A_654 = arith.constant 3 : i32
        %add3A_655 = arith.addi %mul3A_518, %add3A_654 : i32
        %broadcast_in_dim3A_656 = arith.constant 0 : i32
        %broadcast_in_dim3A_657 = vector.broadcast %broadcast_in_dim3A_656 : i32 to vector<16xi32>
        %add3A_658 = vector.broadcast %add3A_655 : i32 to vector<16xi32>
        %add3A_659 = arith.addi %broadcast_in_dim3A_657, %add3A_658 : vector<16xi32>
        %get3A_660 = arith.constant 1 : i32
        %get3A_661 = arith.index_cast %get3A_660 : i32 to index
        %get3A_662 = arith.index_cast %add3A_655 : i32 to index
        %get3A_663 = arith.constant 0 : index
        %get3A_664 = tpu.vector_load %arg6[%get3A_661, %get3A_662, %get3A_663] {strides = array<i32>} : memref<2x128x128xf32, #tpu.memory_space<vmem>>, vector<16xf32>,
        %get3A_665 = arith.constant 1 : i32
        %get3A_666 = arith.index_cast %get3A_665 : i32 to index
        %get3A_667 = arith.index_cast %add3A_655 : i32 to index
        %get3A_668 = arith.constant 16 : index
        %get3A_669 = tpu.vector_load %arg6[%get3A_666, %get3A_667, %get3A_668] {strides = array<i32>} : memref<2x128x128xf32, #tpu.memory_space<vmem>>, vector<16xf32>,
        %get3A_670 = arith.constant 1 : i32
        %get3A_671 = arith.index_cast %get3A_670 : i32 to index
        %get3A_672 = arith.index_cast %add3A_655 : i32 to index
        %get3A_673 = arith.constant 32 : index
        %get3A_674 = tpu.vector_load %arg6[%get3A_671, %get3A_672, %get3A_673] {strides = array<i32>} : memref<2x128x128xf32, #tpu.memory_space<vmem>>, vector<16xf32>,
        %get3A_675 = arith.constant 1 : i32
        %get3A_676 = arith.index_cast %get3A_675 : i32 to index
        %get3A_677 = arith.index_cast %add3A_655 : i32 to index
        %get3A_678 = arith.constant 48 : index
        %get3A_679 = tpu.vector_load %arg6[%get3A_676, %get3A_677, %get3A_678] {strides = array<i32>} : memref<2x128x128xf32, #tpu.memory_space<vmem>>, vector<16xf32>,
        %scatter3A_680 = arith.constant 0 : i32
        %scatter3A_681 = arith.constant 0 : i32
        %scatter3A_682 = arith.constant 0 : i32
        %scatter3A_683 = tpu.memref_slice %arg7[%scan3A_486, %scatter3A_680, %scatter3A_681, %scatter3A_682] : memref<2x8x8x129xf32, #tpu.memory_space<vmem>> -> memref<1x8x8x129xf32, #tpu.memory_space<vmem>>
        %scatter3A_684 = tpu.memref_squeeze %scatter3A_683 : memref<1x8x8x129xf32, #tpu.memory_space<vmem>> -> memref<8x8x129xf32, #tpu.memory_space<vmem>>
        tpu.vector_store_idx %scatter3A_684[%select_n3A, %select_n3A_169, %add3A_659], %get3A_664 : memref<8x8x129xf32, #tpu.memory_space<vmem>>[vector<16xi32>, vector<16xi32>, vector<16xi32>], vector<16xf32>,
        %scatter3A_685 = arith.constant 0 : i32
        %scatter3A_686 = arith.constant 0 : i32
        %scatter3A_687 = arith.constant 0 : i32
        %scatter3A_688 = tpu.memref_slice %arg7[%scan3A_486, %scatter3A_685, %scatter3A_686, %scatter3A_687] : memref<2x8x8x129xf32, #tpu.memory_space<vmem>> -> memref<1x8x8x129xf32, #tpu.memory_space<vmem>>
        %scatter3A_689 = tpu.memref_squeeze %scatter3A_688 : memref<1x8x8x129xf32, #tpu.memory_space<vmem>> -> memref<8x8x129xf32, #tpu.memory_space<vmem>>
        tpu.vector_store_idx %scatter3A_689[%select_n3A_78, %select_n3A_194, %add3A_659], %get3A_669 : memref<8x8x129xf32, #tpu.memory_space<vmem>>[vector<16xi32>, vector<16xi32>, vector<16xi32>], vector<16xf32>,
        %scatter3A_690 = arith.constant 0 : i32
        %scatter3A_691 = arith.constant 0 : i32
        %scatter3A_692 = arith.constant 0 : i32
        %scatter3A_693 = tpu.memref_slice %arg7[%scan3A_486, %scatter3A_690, %scatter3A_691, %scatter3A_692] : memref<2x8x8x129xf32, #tpu.memory_space<vmem>> -> memref<1x8x8x129xf32, #tpu.memory_space<vmem>>
        %scatter3A_694 = tpu.memref_squeeze %scatter3A_693 : memref<1x8x8x129xf32, #tpu.memory_space<vmem>> -> memref<8x8x129xf32, #tpu.memory_space<vmem>>
        tpu.vector_store_idx %scatter3A_694[%select_n3A_112, %select_n3A_219, %add3A_659], %get3A_674 : memref<8x8x129xf32, #tpu.memory_space<vmem>>[vector<16xi32>, vector<16xi32>, vector<16xi32>], vector<16xf32>,
        %scatter3A_695 = arith.constant 0 : i32
        %scatter3A_696 = arith.constant 0 : i32
        %scatter3A_697 = arith.constant 0 : i32
        %scatter3A_698 = tpu.memref_slice %arg7[%scan3A_486, %scatter3A_695, %scatter3A_696, %scatter3A_697] : memref<2x8x8x129xf32, #tpu.memory_space<vmem>> -> memref<1x8x8x129xf32, #tpu.memory_space<vmem>>
        %scatter3A_699 = tpu.memref_squeeze %scatter3A_698 : memref<1x8x8x129xf32, #tpu.memory_space<vmem>> -> memref<8x8x129xf32, #tpu.memory_space<vmem>>
        tpu.vector_store_idx %scatter3A_699[%select_n3A_146, %select_n3A_244, %add3A_659], %get3A_679 : memref<8x8x129xf32, #tpu.memory_space<vmem>>[vector<16xi32>, vector<16xi32>, vector<16xi32>], vector<16xf32>,
      }
      %scan3A_491 = arith.constant 32 : i32
      %dma_start3A_492 = arith.constant 1 : i32
      %dma_start3A_493 = arith.constant 1 : i32
      %dma_start3A_494 = arith.constant 0 : i32
      %dma_start3A_495 = arith.constant 0 : i32
      %dma_start3A_496 = arith.constant 0 : i32
      %dma_start3A_497 = tpu.memref_slice %arg7[%dma_start3A_492, %dma_start3A_494, %dma_start3A_495, %dma_start3A_496] : memref<2x8x8x129xf32, #tpu.memory_space<vmem>> -> memref<1x8x8x128xf32, #tpu.memory_space<vmem>>
      %dma_start3A_498 = tpu.memref_squeeze %dma_start3A_497 : memref<1x8x8x128xf32, #tpu.memory_space<vmem>> -> memref<8x8x128xf32, #tpu.memory_space<vmem>>
      %dma_start3A_499 = arith.constant 0 : i32
      %dma_start3A_500 = arith.constant 0 : i32
      %dma_start3A_501 = arith.constant 0 : i32
      %dma_start3A_502 = tpu.memref_slice %arg4[%add3A_418, %dma_start3A_499, %add3A, %dma_start3A_500, %dma_start3A_501] : memref<200x8x32x8x128xf32, #tpu.memory_space<hbm>> -> memref<1x8x1x8x128xf32, #tpu.memory_space<hbm>>
      %dma_start3A_503 = tpu.memref_squeeze %dma_start3A_502 : memref<1x8x1x8x128xf32, #tpu.memory_space<hbm>> -> memref<8x8x128xf32, #tpu.memory_space<hbm>>
      %dma_start3A_504 = tpu.memref_slice %arg9[%dma_start3A_493] : memref<2x!tpu.dma_semaphore, #tpu.memory_space<semaphore_mem>> -> memref<1x!tpu.dma_semaphore, #tpu.memory_space<semaphore_mem>>
      %dma_start3A_505 = tpu.memref_squeeze %dma_start3A_504 : memref<1x!tpu.dma_semaphore, #tpu.memory_space<semaphore_mem>> -> memref<!tpu.dma_semaphore, #tpu.memory_space<semaphore_mem>>
      %dma_start3A_506 = arith.constant 0 : i32
      %dma_start3A_507 = arith.constant 0 : i32
      %dma_start3A_508 = arith.constant 0 : i32
      %dma_start3A_509 = tpu.memref_slice %arg4[%add3A_418, %dma_start3A_506, %add3A, %dma_start3A_507, %dma_start3A_508] : memref<200x8x32x8x128xf32, #tpu.memory_space<hbm>> -> memref<1x8x1x8x128xf32, #tpu.memory_space<hbm>>
      %dma_start3A_510 = tpu.memref_squeeze %dma_start3A_509 : memref<1x8x1x8x128xf32, #tpu.memory_space<hbm>> -> memref<8x8x128xf32, #tpu.memory_space<hbm>>
      %dma_start3A_511 = arith.constant 0 : i32
      %dma_start3A_512 = arith.constant 0 : i32
      %dma_start3A_513 = arith.constant 0 : i32
      %dma_start3A_514 = tpu.memref_slice %arg7[%dma_start3A_492, %dma_start3A_511, %dma_start3A_512, %dma_start3A_513] : memref<2x8x8x129xf32, #tpu.memory_space<vmem>> -> memref<1x8x8x128xf32, #tpu.memory_space<vmem>>
      %dma_start3A_515 = tpu.memref_squeeze %dma_start3A_514 : memref<1x8x8x128xf32, #tpu.memory_space<vmem>> -> memref<8x8x128xf32, #tpu.memory_space<vmem>>
      tpu.enqueue_dma source(%dma_start3A_515 : memref<8x8x128xf32, #tpu.memory_space<vmem>>) target(%dma_start3A_510 : memref<8x8x128xf32, #tpu.memory_space<hbm>>) target_semaphore(%dma_start3A_505 : memref<!tpu.dma_semaphore, #tpu.memory_space<semaphore_mem>>)
    }
    %scan3A_265 = arith.constant 100 : i32
    %dma_wait3A_266 = arith.constant 0 : i32
    %dma_wait3A_267 = arith.constant 198 : i32
    %dma_wait3A_268 = arith.constant 0 : i32
    %dma_wait3A_269 = arith.constant 0 : i32
    %dma_wait3A_270 = arith.constant 0 : i32
    %dma_wait3A_271 = arith.constant 0 : i32
    %dma_wait3A_272 = tpu.memref_slice %arg7[%dma_wait3A_266, %dma_wait3A_269, %dma_wait3A_270, %dma_wait3A_271] : memref<2x8x8x129xf32, #tpu.memory_space<vmem>> -> memref<1x8x8x128xf32, #tpu.memory_space<vmem>>
    %dma_wait3A_273 = tpu.memref_squeeze %dma_wait3A_272 : memref<1x8x8x128xf32, #tpu.memory_space<vmem>> -> memref<8x8x128xf32, #tpu.memory_space<vmem>>
    %dma_wait3A_274 = arith.constant 0 : i32
    %dma_wait3A_275 = arith.constant 0 : i32
    %dma_wait3A_276 = arith.constant 0 : i32
    %dma_wait3A_277 = tpu.memref_slice %arg4[%dma_wait3A_267, %dma_wait3A_274, %add3A, %dma_wait3A_275, %dma_wait3A_276] : memref<200x8x32x8x128xf32, #tpu.memory_space<hbm>> -> memref<1x8x1x8x128xf32, #tpu.memory_space<hbm>>
    %dma_wait3A_278 = tpu.memref_squeeze %dma_wait3A_277 : memref<1x8x1x8x128xf32, #tpu.memory_space<hbm>> -> memref<8x8x128xf32, #tpu.memory_space<hbm>>
    %dma_wait3A_279 = tpu.memref_slice %arg9[%dma_wait3A_268] : memref<2x!tpu.dma_semaphore, #tpu.memory_space<semaphore_mem>> -> memref<1x!tpu.dma_semaphore, #tpu.memory_space<semaphore_mem>>
    %dma_wait3A_280 = tpu.memref_squeeze %dma_wait3A_279 : memref<1x!tpu.dma_semaphore, #tpu.memory_space<semaphore_mem>> -> memref<!tpu.dma_semaphore, #tpu.memory_space<semaphore_mem>>
    %dma_wait3A_281 = arith.constant 0 : i32
    %dma_wait3A_282 = arith.constant 0 : i32
    %dma_wait3A_283 = arith.constant 0 : i32
    %dma_wait3A_284 = tpu.memref_slice %arg4[%dma_wait3A_267, %dma_wait3A_281, %add3A, %dma_wait3A_282, %dma_wait3A_283] : memref<200x8x32x8x128xf32, #tpu.memory_space<hbm>> -> memref<1x8x1x8x128xf32, #tpu.memory_space<hbm>>
    %dma_wait3A_285 = tpu.memref_squeeze %dma_wait3A_284 : memref<1x8x1x8x128xf32, #tpu.memory_space<hbm>> -> memref<8x8x128xf32, #tpu.memory_space<hbm>>
    %dma_wait3A_286 = arith.constant 0 : i32
    %dma_wait3A_287 = arith.constant 0 : i32
    %dma_wait3A_288 = arith.constant 0 : i32
    %dma_wait3A_289 = tpu.memref_slice %arg7[%dma_wait3A_266, %dma_wait3A_286, %dma_wait3A_287, %dma_wait3A_288] : memref<2x8x8x129xf32, #tpu.memory_space<vmem>> -> memref<1x8x8x128xf32, #tpu.memory_space<vmem>>
    %dma_wait3A_290 = tpu.memref_squeeze %dma_wait3A_289 : memref<1x8x8x128xf32, #tpu.memory_space<vmem>> -> memref<8x8x128xf32, #tpu.memory_space<vmem>>
    tpu.wait_dma2 semaphore(%dma_wait3A_280 : memref<!tpu.dma_semaphore, #tpu.memory_space<semaphore_mem>>) src(%dma_wait3A_290 : memref<8x8x128xf32, #tpu.memory_space<vmem>>) dst(%dma_wait3A_285 : memref<8x8x128xf32, #tpu.memory_space<hbm>>)
    %dma_wait3A_291 = arith.constant 1 : i32
    %dma_wait3A_292 = arith.constant 199 : i32
    %dma_wait3A_293 = arith.constant 1 : i32
    %dma_wait3A_294 = arith.constant 0 : i32
    %dma_wait3A_295 = arith.constant 0 : i32
    %dma_wait3A_296 = arith.constant 0 : i32
    %dma_wait3A_297 = tpu.memref_slice %arg7[%dma_wait3A_291, %dma_wait3A_294, %dma_wait3A_295, %dma_wait3A_296] : memref<2x8x8x129xf32, #tpu.memory_space<vmem>> -> memref<1x8x8x128xf32, #tpu.memory_space<vmem>>
    %dma_wait3A_298 = tpu.memref_squeeze %dma_wait3A_297 : memref<1x8x8x128xf32, #tpu.memory_space<vmem>> -> memref<8x8x128xf32, #tpu.memory_space<vmem>>
    %dma_wait3A_299 = arith.constant 0 : i32
    %dma_wait3A_300 = arith.constant 0 : i32
    %dma_wait3A_301 = arith.constant 0 : i32
    %dma_wait3A_302 = tpu.memref_slice %arg4[%dma_wait3A_292, %dma_wait3A_299, %add3A, %dma_wait3A_300, %dma_wait3A_301] : memref<200x8x32x8x128xf32, #tpu.memory_space<hbm>> -> memref<1x8x1x8x128xf32, #tpu.memory_space<hbm>>
    %dma_wait3A_303 = tpu.memref_squeeze %dma_wait3A_302 : memref<1x8x1x8x128xf32, #tpu.memory_space<hbm>> -> memref<8x8x128xf32, #tpu.memory_space<hbm>>
    %dma_wait3A_304 = tpu.memref_slice %arg9[%dma_wait3A_293] : memref<2x!tpu.dma_semaphore, #tpu.memory_space<semaphore_mem>> -> memref<1x!tpu.dma_semaphore, #tpu.memory_space<semaphore_mem>>
    %dma_wait3A_305 = tpu.memref_squeeze %dma_wait3A_304 : memref<1x!tpu.dma_semaphore, #tpu.memory_space<semaphore_mem>> -> memref<!tpu.dma_semaphore, #tpu.memory_space<semaphore_mem>>
    %dma_wait3A_306 = arith.constant 0 : i32
    %dma_wait3A_307 = arith.constant 0 : i32
    %dma_wait3A_308 = arith.constant 0 : i32
    %dma_wait3A_309 = tpu.memref_slice %arg4[%dma_wait3A_292, %dma_wait3A_306, %add3A, %dma_wait3A_307, %dma_wait3A_308] : memref<200x8x32x8x128xf32, #tpu.memory_space<hbm>> -> memref<1x8x1x8x128xf32, #tpu.memory_space<hbm>>
    %dma_wait3A_310 = tpu.memref_squeeze %dma_wait3A_309 : memref<1x8x1x8x128xf32, #tpu.memory_space<hbm>> -> memref<8x8x128xf32, #tpu.memory_space<hbm>>
    %dma_wait3A_311 = arith.constant 0 : i32
    %dma_wait3A_312 = arith.constant 0 : i32
    %dma_wait3A_313 = arith.constant 0 : i32
    %dma_wait3A_314 = tpu.memref_slice %arg7[%dma_wait3A_291, %dma_wait3A_311, %dma_wait3A_312, %dma_wait3A_313] : memref<2x8x8x129xf32, #tpu.memory_space<vmem>> -> memref<1x8x8x128xf32, #tpu.memory_space<vmem>>
    %dma_wait3A_315 = tpu.memref_squeeze %dma_wait3A_314 : memref<1x8x8x128xf32, #tpu.memory_space<vmem>> -> memref<8x8x128xf32, #tpu.memory_space<vmem>>
    tpu.wait_dma2 semaphore(%dma_wait3A_305 : memref<!tpu.dma_semaphore, #tpu.memory_space<semaphore_mem>>) src(%dma_wait3A_315 : memref<8x8x128xf32, #tpu.memory_space<vmem>>) dst(%dma_wait3A_310 : memref<8x8x128xf32, #tpu.memory_space<hbm>>)
    return
  }
}

</mosaic_0001>

<sc_bundles>
// kernel: kernel.3.cloned.1.call-start
scs
__scs_entry_jumppad:
0x0: {  	(pc) =	sbr.rel $0x88, $3  }
0x1: {  	(tag) =	ssettag $0x0;
	lr =	simm.s32 $0x1  }
0x2: {  	[smem:$0x3F9F] =	sst lr;
	_ =	strace $0xD0000000  }
0x3: {  	_ = 	snop  }
0x4: {  	_ = 	snop  }
0x5: {  	_ = 	snop  }
0x6: {  	_ = 	snop  }
0x7: {  	_ = 	snop  }
__scs_overlays_trampoline_lowered:
0x8: {  	[smem:$0x3FAE] =	sst s0  }
0x9: {  	[smem:$0x3FAF] =	sst s1  }
0xa: {  	[smem:$0x3FB0] =	sst s2  }
0xb: {  	[smem:$0x3FB1] =	sst s3  }
0xc: {  	[smem:$0x3FB2] =	sst s4  }
0xd: {  	[smem:$0x3FB3] =	sst s5  }
0xe: {  	[smem:$0x3FB4] =	sst s6  }
0xf: {  	[smem:$0x3FB5] =	sst s7  }
0x10: {  	[smem:$0x3FB6] =	sst s8  }
0x11: {  	[smem:$0x3FB7] =	sst s9;
	s0 =	simm.s32 @!p0 $0x0  }
0x12: {  	s1 =	sld [smem:$0x3F9D];
	s0 =	simm.s32 @p0 $0x1  }
0x13: {  	[smem:$0x3FB8] =	sst s0;
	s0 =	simm.s32 @!p1 $0x0  }
0x14: {  	s2 =	sld [smem:$0x3F9C];
	s0 =	simm.s32 @p1 $0x1  }
0x15: {  	[smem:$0x3FB9] =	sst s0;
	s0 =	simm.s32 @!p2 $0x0  }
0x16: {  	s3 =	sld [smem:$0x3FDB];
	s0 =	simm.s32 @p2 $0x1  }
0x17: {  	s4 =	simm.s32 $0x1BF5;
	[smem:$0x3FBB] =	sst s0  }
0x18: {  	s0 =	sld [smem:$0x3F9E];
	_ =	swait.ge [sflag:s4], $0x0  }
0x19: {  	s7 =	sld [smem:$0x3F9F]  }
0x1a: {  	s8 =	sadd.s32 $0xFFFFE003, lr  }
0x1b: {  	s9 =	sadd.s32 $0xFFFFFEF7, lr;
	s5 =	simm.s32 $0xFFFFFFFF;
	p2 =	slt.u32 s8, $0xFFFFF086  }
0x1c: {  	p1 =	slt.u32 s9, $0xF7A;
	s5 =	simm.s32 @!p2 $0x0  }
0x1d: {  	s5 =	simm.s32 @p1 $0x1;
	p0 =	seq.s32 s7, s2  }
0x1e: {  	s7 =	smul.u32 @!p0 $0xF7A, s2;
	p2 =	seq.s32 @!p0 s5, $0x0  }
0x1f: {  	s9 =	smul.u32 $0xF7A, s1;
	s8 =	simm.s32 @!p0 $0x1BF5;
	p2 =	por !p2, p0  }
0x20: {  	[sflag:s8] =	ssyncset.s32 @!p0 $0xFFFFF086;
	s6 =	sadd.s32 @!p0 s3, s7;
	s7 =	simm.s32 @!p0 $0x108  }
0x21: {  	s3 =	sadd.s32 s3, s9;
	s6 =	sadd.s32 @!p0 $0x88, s6;
	s7 =	simm.s32 @p2 $0x1082  }
0x22: {  	[simem:s7], [sflag:s8] =	dma.local @!p0 [hbm:s6], $0xF7A  }
0x23: {  	s9 =	sor.u32 $0xD0000000, s2;
	s6 =	simm.s32 $0x108;
	_ =	swait.ge @!p0 [sflag:s8], $0x0  }
0x24: {  	s3 =	sadd.s32 $0x88, s3;
	s6 =	simm.s32 @!p1 $0x1082;
	[sflag:s4] =	ssyncset.s32 $0xFFFFF086  }
0x25: {  	[simem:s6], [sflag:s4] =	dma.local [hbm:s3], $0xF7A  }
0x26: {  	[smem:$0x3F9F] =	sst s1;
	(tag) =	ssettag s2;
	_ =	strace s9  }
0x27: {  	s1 =	sld [smem:$0x3FAF]  }
0x28: {  	s2 =	sld [smem:$0x3FB0]  }
0x29: {  	s4 =	sld [smem:$0x3FB2]  }
0x2a: {  	p0 =	seq.s32 s5, $0x0;
	s5 =	sld [smem:$0x3FB3]  }
0x2b: {  	s6 =	sld [smem:$0x3FB4]  }
0x2c: {  	s7 =	sld [smem:$0x3FB5]  }
0x2d: {  	s3 =	simm.s32 $0x108;
	s8 =	sld [smem:$0x3FB6]  }
0x2e: {  	s3 =	simm.s32 @!p0 $0x1082;
	s9 =	sld [smem:$0x3FB7]  }
0x2f: {  	lr =	sadd.s32 s0, s3;
	s0 =	sld [smem:$0x3FAE]  }
0x30: {  	s3 =	sld [smem:$0x3FB1]  }
0x31: {  	[smem:$0x3FBA] =	sst s10  }
0x32: {  	s10 =	sld [smem:$0x3FB8];
	_ =	sdelay $0x3  }
0x33: {  	p0 =	seq.s32 s10, $0x1;
	s10 =	sld [smem:$0x3FBA];
	_ =	sdelay $0x3  }
0x34: {  	[smem:$0x3FBA] =	sst s10  }
0x35: {  	s10 =	sld [smem:$0x3FB9];
	_ =	sdelay $0x3  }
0x36: {  	p1 =	seq.s32 s10, $0x1;
	s10 =	sld [smem:$0x3FBA];
	_ =	sdelay $0x3  }
0x37: {  	[smem:$0x3FBA] =	sst s10  }
0x38: {  	s10 =	sld [smem:$0x3FBB]  }
0x39: {  	_ = 	snop;
	(pc) =	sbr.ind lr, $3  }
0x3a: {  	_ = 	snop  }
0x3b: {  	_ = 	snop  }
0x3c: {  	p2 =	seq.s32 s10, $0x1;
	s10 =	sld [smem:$0x3FBA]  }
0x3d: {  	_ =	shalt  }
0x3e: {  	_ =	shalt  }
0x3f: {  	_ =	shalt  }
0x40: {  	_ =	shalt  }
0x41: {  	_ =	shalt  }
0x42: {  	_ =	shalt  }
0x43: {  	_ =	shalt  }
0x44: {  	_ =	shalt  }
0x45: {  	_ =	shalt  }
0x46: {  	_ =	shalt  }
0x47: {  	_ =	shalt  }
0x48: {  	_ =	shalt  }
0x49: {  	_ =	shalt  }
0x4a: {  	_ =	shalt  }
0x4b: {  	_ =	shalt  }
0x4c: {  	_ =	shalt  }
0x4d: {  	_ =	shalt  }
0x4e: {  	_ =	shalt  }
0x4f: {  	_ =	shalt  }
0x50: {  	_ =	shalt  }
0x51: {  	_ =	shalt  }
0x52: {  	_ =	shalt  }
0x53: {  	_ =	shalt  }
0x54: {  	_ =	shalt  }
0x55: {  	_ =	shalt  }
0x56: {  	_ =	shalt  }
0x57: {  	_ =	shalt  }
0x58: {  	_ =	shalt  }
0x59: {  	_ =	shalt  }
0x5a: {  	_ =	shalt  }
0x5b: {  	_ =	shalt  }
0x5c: {  	_ =	shalt  }
0x5d: {  	_ =	shalt  }
0x5e: {  	_ =	shalt  }
0x5f: {  	_ =	shalt  }
0x60: {  	_ =	shalt  }
0x61: {  	_ =	shalt  }
0x62: {  	_ =	shalt  }
0x63: {  	_ =	shalt  }
0x64: {  	_ =	shalt  }
0x65: {  	_ =	shalt  }
0x66: {  	_ =	shalt  }
0x67: {  	_ =	shalt  }
0x68: {  	_ =	shalt  }
0x69: {  	_ =	shalt  }
0x6a: {  	_ =	shalt  }
0x6b: {  	_ =	shalt  }
0x6c: {  	_ =	shalt  }
0x6d: {  	_ =	shalt  }
0x6e: {  	_ =	shalt  }
0x6f: {  	_ =	shalt  }
0x70: {  	_ =	shalt  }
0x71: {  	_ =	shalt  }
0x72: {  	_ =	shalt  }
0x73: {  	_ =	shalt  }
0x74: {  	_ =	shalt  }
0x75: {  	_ =	shalt  }
0x76: {  	_ =	shalt  }
0x77: {  	_ =	shalt  }
0x78: {  	_ =	shalt  }
0x79: {  	_ =	shalt  }
0x7a: {  	_ =	shalt  }
0x7b: {  	_ =	shalt  }
0x7c: {  	_ =	shalt  }
0x7d: {  	_ =	shalt  }
0x7e: {  	_ =	shalt  }
0x7f: {  	_ =	shalt  }
0x80: {  	_ =	shalt  }
0x81: {  	_ =	shalt  }
0x82: {  	_ =	shalt  }
0x83: {  	_ =	shalt  }
0x84: {  	_ =	shalt  }
0x85: {  	_ =	shalt  }
0x86: {  	_ =	shalt  }
0x87: {  	_ =	shalt  }
.Lfunc_end0:
.L_simem_size_0:
called_computation_lowered:
.L_overlay_start_0:
0x88: {  	s2 =	sld [smem:$0x3FD9]  }
0x89: {  	s3 =	sld [smem:$0x3FFE];
	_ =	sdelay $0x1  }
0x8a: {  	s1 =	srdreg.scid  }
0x8b: {  	s0 =	sand.u32 $0x1, s1  }
0x8c: {  	s17 =	sshll.u32 s0, $0xA;
	s2 =	sadd.s32 s3, s2  }
0x8d: {  	s2 =	sadd.s32 s2, s17  }
0x8e: {  	[smem:$0x3FC6] =	sst s2  }
0x8f: {  	_ = 	snop  }
0x90: {  	s2 =	sld [smem:$0x3FC9]  }
0x91: {  	s18 =	sld [smem:$0x3FD0];
	(tm) =	ssettm $0x1  }
0x92: {  	s4 =	sld [smem:$0x3FFB];
	_ =	sdelay $0x3  }
0x93: {  	_ =	strace s4  }
0x94: {  	s4 =	sld [smem:$0x3FFC];
	_ =	sdelay $0x3  }
0x95: {  	_ =	strace s4  }
0x96: {  	s4 =	sld [smem:$0x3FFD];
	_ =	sdelay $0x3  }
0x97: {  	_ =	strace s4  }
0x98: {  	_ =	strace $0x8FFFFFFF  }
0x99: {  	s19 =	sld [smem:$0x3FDB];
	_ =	sdelay $0x1  }
0x9a: {  	s5 =	simm.s32 $_scs_section_size  }
0x9b: {  	s6 =	simm.s32 $_size__tile_overlayer_lowered;
	s7 =	simm.s32 $_tile_overlayer_lowered  }
0x9c: {  	s22 =	simm.s32 $0x1BFF;
	s21 =	sshll.u32 s7, $0x1;
	s4 =	sadd.s32 s5, s19  }
0x9d: {  	s8 =	simm.s32 $0x0;
	s20 =	sshll.u32 s6, $0x1;
	s6 =	sadd.s32 s21, s4  }
0x9e: {  	[timem:s8], [sflag:s22] =	dma.local [hbm:s6], s20  }
0x9f: {  	_ =	swait.ge [sflag:s22], s20  }
0xa0: {  	s5 =	ssub.s32 $0x0, s20;
	[sflag:s22] =	ssyncset.done $0x0  }
0xa1: {  	[sflag:s22] =	ssyncadd.s32 s5;
	_ =	sdelay $0x1  }
0xa2: {  	s23 =	simm.s32 $0x1B8B  }
0xa3: {  	_ =	swait.ge [sflag:s23], $0x1  }
0xa4: {  	[sflag:s23] =	ssyncset.done $0x0  }
0xa5: {  	s25 =	simm.s32 $0x1B8E;
	s24 =	sld [smem:$0x3FFE];
	[sflag:s23] =	ssyncadd.s32 $0xFFFFFFFF  }
0xa6: {  	s26 =	simm.s32 $execute0_lowered;
	[smem:$0x3FD2] =	sst s25  }
0xa7: {  	s6 =	sshll.u32 s26, $0x1;
	_ =	strace $0x80000046;
	[dreg:$0x1] =	wrdreg $0xFFFFFFFF  }
0xa8: {  	s28 =	simm.s32 $_size_execute0_lowered;
	s4 =	sadd.s32 s4, s6;
	[dreg:$0x0] =	wrdreg $0x0  }
0xa9: {  	s6 =	sshll.u32 s28, $0x1;
	[dreg:$0x2] =	wrdreg s4  }
0xaa: {  	[dreg:$0x3] =	wrdreg s6  }
0xab: {  	[dreg:$0x4] =	wrdreg $0xC0  }
0xac: {  	_ =	task [dreg:s8], $0x5FFFF  }
0xad: {  	[dreg:$0x1] =	wrdreg $0xFFFFFFFF  }
0xae: {  	[dreg:$0x0] =	wrdreg $0x60  }
0xaf: {  	[dreg:$0x2] =	wrdreg s2  }
0xb0: {  	[dreg:$0x3] =	wrdreg s24  }
0xb1: {  	[dreg:$0x4] =	wrdreg s18  }
0xb2: {  	[dreg:$0x5] =	wrdreg $0x9  }
0xb3: {  	_ =	task.clear_ibuf [dreg:s8], $0x6FFFF;
	_ =	strace $0x90000046  }
0xb4: {  	s29 =	simm.s32 $0x9;
	_ =	strace $0x80000048  }
0xb5: {  	_ =	swait.ge [sflag:s29], $0x1  }
0xb6: {  	[sflag:s29] =	ssyncadd.s32 $0xFFFFFFFF  }
0xb7: {  	_ =	strace $0x90000048  }
0xb8: {  	_ =	sfence  }
0xb9: {  	s30 =	sld [smem:$0x0];
	_ =	sdelay $0x2  }
0xba: {  	s31 =	sshll.u32 s1, $0xD;
	s1 =	sshrl.u32 s1, $0x2  }
0xbb: {  	s3 =	sand.u32 $0x4000, s31;
	s1 =	sadd.s32 s1, s30  }
0xbc: {  	s0 =	sor.u32 s3, s0;
	s1 =	sshll.u32 s1, $0x11  }
0xbd: {  	s0 =	sor.u32 s1, s0  }
0xbe: {  	s0 =	sadd.s32 $0x8F2B, s0  }
0xbf: {  	[sflag:s0] =	ssyncadd.remote.s32 $0x1  }
0xc0: {  	_ =	sfence.sel $0xFFFF  }
0xc1: {  	[dreg:$0x0] =	wrdreg $0xFFFFFFFF;
	(pc) =	sbr.abs _section_cstart, $3  }
0xc2: {  	[dreg:$0x1] =	wrdreg $0xFFFFFFFF  }
0xc3: {  	_ =	task.clear_ibuf [dreg:s8], $0x2FFFF;
	_ =	strace $0x9FFFFFFF  }
0xc4: {  	(tm) =	ssettm $0x7FFFFFFF  }
0xc5: {  	_ =	shalt  }
tec
execute0_lowered:
.L_overlay_start_1:
0x0: {  	(tag) =	ssettag $0x1  }
0x1: {  	s6 =	rddreg [dreg:$0x0]  }
0x2: {  	s5 =	rddreg [dreg:$0x1]  }
0x3: {  	s1 =	rddreg [dreg:$0x2]  }
0x4: {  	s0 =	rddreg [dreg:$0x3];
	s3 =	simm.s32 $0x0;
	s4 =	srdreg.scid  }
0x5: {  	s2 =	stileid.u32;
	s10 =	simm.s32 $0x5;
	s11 =	simm.s32 $0x80  }
0x6: {  	s12 =	simm.s32 $0x6400;
	s13 =	simm.s32 $0x1;
	s14 =	simm.s32 $0xA400  }
0x7: {  	s15 =	simm.s32 $0xE400;
	s16 =	simm.s32 $0x2;
	s17 =	simm.s32 $0x10600  }
0x8: {  	s18 =	simm.s32 $0x3;
	s19 =	simm.s32 $0x4;
	s20 =	simm.s32 $0x0  }
0x9: {  	[smem:$0x7FF] =	sst s3;
	s4 =	sand.u32 $0x1, s4;
	s8 =	sshll.u32 s2, $0xB  }
0xa: {  	v0 =	vlaneseq.u32;
	s5 =	sadd.s32 $0xF42800, s5;
	s7 =	ssub.s32 $0x2, s4;
	s4 =	sshll.u32 s4, $0xA  }
0xb: {  	v0 =	vmul.u32 $0x88, v0;
	_ =	strace $0x80000047;
	s9 =	sshrl.u32 s7, $0x1;
	s4 =	sor.u32 s4, s8  }
0xc: {  	s7 =	ssub.s32 s7, s9;
	s8 =	sshrl.u32 s4, $0x3;
	s9 =	simm.s32 $0x8000  }
0xd: {  	v1 =	vadd.s32 $0x880, v0;
	v2 =	vadd.s32 $0x1100, v0;
	v3 =	vadd.s32 $0x1980, v0;
	s6 =	sadd.s32 s6, s8;
	s7 =	smax.u32 s7, $0x1;
	s8 =	simm.s32 $0x400  }
.LBB2_1:
0xe: {  	[tilespmem:s3], [sflag:$0x5] =	stream.strided.gather [hbm4b:s6+s8], $0x6400, s9, s8, $0x38;
	[tilespmem:$0x12800] =	vst v63  }
0xf: {  	_ =	swait.ge [sflag:s10], $0x6400  }
0x10: {  	[sflag:s10] =	ssyncset.done $0x0  }
0x11: {  	s21 =	simm.s32 $0x0;
	[sflag:s10] =	ssyncadd.s32 $0xFFFF9C00  }
0x12: {  	[tilespmem:s12], [sflag:$0x1] =	stream.indirect.gather [hbm4b:s5+s11], $0x80, s3, s11, $0xb8;
	[tilespmem:$0x12800] =	vst v63  }
.LBB2_2:
0x13: {  	s22 =	sshllo.u32 s21, $0x1  }
0x14: {  	_ =	swait.ge [sflag:s13], $0x4000;
	s24 =	sshll.u32 s21, $0x8;
	s23 =	sshll.u32 s22, $0x7  }
0x15: {  	[sflag:s13] =	ssyncset.done $0x0;
	s24 =	sand.u32 $0x7C00, s24;
	s23 =	sand.u32 $0x380, s23  }
0x16: {  	p0 =	seq.s32 s21, $0x0;
	[sflag:s13] =	ssyncadd.s32 $0xFFFFC000;
	s23 =	sor.u32 s23, s24  }
0x17: {  	[tilespmem:s14], [sflag:$0x2] =	stream.indirect.gather [hbm4b:s5+s11], $0x80, s23, s11, $0xb8;
	[tilespmem:$0x12800] =	vst v63  }
0x18: {  	s23 =	simm.s32 @!p0 $0x3  }
0x19: {  	s28 =	simm.s32 $0x0;
	_ =	swait.ge @!p0 [sflag:s23], $0x2000  }
0x1a: {  	v4 =	vmov s28;
	[sflag:s23] =	ssyncset.done @!p0 $0x0  }
0x1b: {  	v4 =	vand.u32 $0x7C, v4;
	s24 =	simm.s32 $0x6500;
	[sflag:s23] =	ssyncadd.s32 @!p0 $0xFFFFE000  }
0x1c: {  	v6 =	vadd.s32 v0, v4;
	v5 =	vld [tilespmem:s24+$0xFFFFFF00]  }
0x1d: {  	v8 =	vadd.s32 v1, v4;
	v7 =	vld [tilespmem:s24+$0xFFFFFF10]  }
0x1e: {  	v10 =	vadd.s32 v2, v4;
	v9 =	vld [tilespmem:s24+$0xFFFFFF20]  }
0x1f: {  	v4 =	vadd.s32 v3, v4;
	v11 =	vld [tilespmem:s24+$0xFFFFFF30];
	_ =	sdelay $0x1  }
0x20: {  	[tilespmem:v6+s15+$0x0] =	vst.idx.msk $0xffff, v5  }
0x21: {  	s29 =	simm.s32 $0x1;
	[tilespmem:v8+s15+$0x0] =	vst.idx.msk $0xffff, v7  }
0x22: {  	v5 =	vmov s29;
	[tilespmem:v10+s15+$0x0] =	vst.idx.msk $0xffff, v9  }
0x23: {  	[tilespmem:v4+s15+$0x0] =	vst.idx.msk $0xffff, v11;
	v4 =	vand.u32 $0x7D, v5  }
0x24: {  	v5 =	vld [tilespmem:s24+$0xFFFFFF80];
	v6 =	vadd.s32 v0, v4  }
0x25: {  	v7 =	vld [tilespmem:s24+$0xFFFFFF90];
	v8 =	vadd.s32 v1, v4  }
0x26: {  	v9 =	vld [tilespmem:s24+$0xFFFFFFA0];
	v60 =	vadd.s32 v2, v4  }
0x27: {  	v11 =	vld [tilespmem:s24+$0xFFFFFFB0];
	v4 =	vadd.s32 v3, v4;
	_ =	sdelay $0x1  }
0x28: {  	[tilespmem:v6+s15+$0x0] =	vst.idx.msk $0xffff, v5  }
0x29: {  	s30 =	simm.s32 $0x2;
	[tilespmem:v8+s15+$0x0] =	vst.idx.msk $0xffff, v7  }
0x2a: {  	v5 =	vmov s30;
	[tilespmem:v60+s15+$0x0] =	vst.idx.msk $0xffff, v9  }
0x2b: {  	[tilespmem:v4+s15+$0x0] =	vst.idx.msk $0xffff, v11;
	v4 =	vand.u32 $0x7E, v5  }
0x2c: {  	v5 =	vld [tilespmem:s24+$0x0];
	v6 =	vadd.s32 v0, v4  }
0x2d: {  	v7 =	vld [tilespmem:s24+$0x10];
	v8 =	vadd.s32 v1, v4  }
0x2e: {  	v9 =	vld [tilespmem:s24+$0x20];
	v61 =	vadd.s32 v2, v4  }
0x2f: {  	v11 =	vld [tilespmem:s24+$0x30];
	v4 =	vadd.s32 v3, v4;
	_ =	sdelay $0x1  }
0x30: {  	[tilespmem:v6+s15+$0x0] =	vst.idx.msk $0xffff, v5  }
0x31: {  	s31 =	simm.s32 $0x3;
	[tilespmem:v8+s15+$0x0] =	vst.idx.msk $0xffff, v7  }
0x32: {  	v5 =	vmov s31;
	[tilespmem:v61+s15+$0x0] =	vst.idx.msk $0xffff, v9  }
0x33: {  	v5 =	vand.u32 $0x7F, v5;
	[tilespmem:v4+s15+$0x0] =	vst.idx.msk $0xffff, v11  }
0x34: {  	v7 =	vadd.s32 v0, v5;
	v6 =	vld [tilespmem:s24+$0x80]  }
0x35: {  	v62 =	vadd.s32 v1, v5;
	v8 =	vld [tilespmem:s24+$0x90]  }
0x36: {  	v63 =	vadd.s32 v2, v5;
	v10 =	vld [tilespmem:s24+$0xA0];
	_ =	sdelay $0x1  }
0x37: {  	v5 =	vadd.s32 v3, v5;
	v4 =	vld [tilespmem:s24+$0xB0]  }
0x38: {  	[tilespmem:v7+s15+$0x0] =	vst.idx.msk $0xffff, v6  }
0x39: {  	s25 =	simm.s32 $0x4;
	[tilespmem:v62+s15+$0x0] =	vst.idx.msk $0xffff, v8  }
0x3a: {  	s26 =	simm.s32 $0x8;
	s23 =	sshll.u32 s21, $0x1;
	v6 =	vmov s25;
	[tilespmem:v63+s15+$0x0] =	vst.idx.msk $0xffff, v10  }
.LBB2_3:
0x3b: {  	p0 =	sne.s32 s26, $0x7C  }
0x3c: {  	v6 =	vand.u32 $0x7C, v6;
	[tilespmem:v5+s15+$0x0] =	vst.idx.msk $0xffff, v4;
	s24 =	sadd.s32 $0x200, s24;
	s28 =	smov.u32 s26;
	s26 =	sadd.s32 $0x4, s26  }
0x3d: {  	v4 =	vld [tilespmem:s24+$0xFFFFFF00];
	v5 =	vadd.s32 v0, v6  }
0x3e: {  	v8 =	vadd.s32 v1, v6;
	v7 =	vld [tilespmem:s24+$0xFFFFFF10]  }
0x3f: {  	v10 =	vadd.s32 v2, v6;
	v9 =	vld [tilespmem:s24+$0xFFFFFF20]  }
0x40: {  	v6 =	vadd.s32 v3, v6;
	v11 =	vld [tilespmem:s24+$0xFFFFFF30];
	_ =	sdelay $0x1  }
0x41: {  	[tilespmem:v5+s15+$0x0] =	vst.idx.msk $0xffff, v4  }
0x42: {  	s29 =	sadd.s32 $0x1, s25;
	[tilespmem:v8+s15+$0x0] =	vst.idx.msk $0xffff, v7  }
0x43: {  	v4 =	vmov s29;
	[tilespmem:v10+s15+$0x0] =	vst.idx.msk $0xffff, v9  }
0x44: {  	v4 =	vand.u32 $0x7D, v4;
	[tilespmem:v6+s15+$0x0] =	vst.idx.msk $0xffff, v11  }
0x45: {  	v6 =	vadd.s32 v0, v4;
	v5 =	vld [tilespmem:s24+$0xFFFFFF80]  }
0x46: {  	v8 =	vadd.s32 v1, v4;
	v7 =	vld [tilespmem:s24+$0xFFFFFF90]  }
0x47: {  	v10 =	vadd.s32 v2, v4;
	v9 =	vld [tilespmem:s24+$0xFFFFFFA0]  }
0x48: {  	v4 =	vadd.s32 v3, v4;
	v11 =	vld [tilespmem:s24+$0xFFFFFFB0];
	_ =	sdelay $0x1  }
0x49: {  	[tilespmem:v6+s15+$0x0] =	vst.idx.msk $0xffff, v5  }
0x4a: {  	s29 =	sadd.s32 $0x2, s25;
	[tilespmem:v8+s15+$0x0] =	vst.idx.msk $0xffff, v7  }
0x4b: {  	v5 =	vmov s29;
	[tilespmem:v10+s15+$0x0] =	vst.idx.msk $0xffff, v9  }
0x4c: {  	[tilespmem:v4+s15+$0x0] =	vst.idx.msk $0xffff, v11;
	v4 =	vand.u32 $0x7E, v5  }
0x4d: {  	v5 =	vld [tilespmem:s24+$0x0];
	v6 =	vadd.s32 v0, v4  }
0x4e: {  	v8 =	vadd.s32 v1, v4;
	v7 =	vld [tilespmem:s24+$0x10]  }
0x4f: {  	v10 =	vadd.s32 v2, v4;
	v9 =	vld [tilespmem:s24+$0x20]  }
0x50: {  	v4 =	vadd.s32 v3, v4;
	v11 =	vld [tilespmem:s24+$0x30];
	_ =	sdelay $0x1  }
0x51: {  	[tilespmem:v6+s15+$0x0] =	vst.idx.msk $0xffff, v5  }
0x52: {  	s29 =	sadd.s32 $0x3, s25;
	s25 =	smov.u32 s28;
	[tilespmem:v8+s15+$0x0] =	vst.idx.msk $0xffff, v7  }
0x53: {  	v5 =	vmov s29;
	[tilespmem:v10+s15+$0x0] =	vst.idx.msk $0xffff, v9  }
0x54: {  	v5 =	vand.u32 $0x7F, v5;
	[tilespmem:v4+s15+$0x0] =	vst.idx.msk $0xffff, v11  }
0x55: {  	v7 =	vadd.s32 v0, v5;
	v6 =	vld [tilespmem:s24+$0x80]  }
0x56: {  	v9 =	vadd.s32 v1, v5;
	v8 =	vld [tilespmem:s24+$0x90]  }
0x57: {  	v11 =	vadd.s32 v2, v5;
	v10 =	vld [tilespmem:s24+$0xA0]  }
.Ltmp0:
0x58: {  	v5 =	vadd.s32 v3, v5;
	v4 =	vld [tilespmem:s24+$0xB0];
	(pc) =	sbr.rel @p0 .LBB2_3-.Ltmp0, $4  }
0x59: {  	_ = 	snop  }
0x5a: {  	[tilespmem:v7+s15+$0x0] =	vst.idx.msk $0xffff, v6  }
0x5b: {  	[tilespmem:v9+s15+$0x0] =	vst.idx.msk $0xffff, v8  }
0x5c: {  	v6 =	vmov s25;
	[tilespmem:v11+s15+$0x0] =	vst.idx.msk $0xffff, v10  }
0x5d: {  	_ =	sdelay $0x3  }
0x5e: {  	v6 =	vand.u32 $0x7C, v6;
	[tilespmem:v5+s15+$0x0] =	vst.idx.msk $0xffff, v4;
	s24 =	sadd.s32 $0x200, s24  }
0x5f: {  	v4 =	vld [tilespmem:s24+$0xFFFFFF00];
	v5 =	vadd.s32 v0, v6  }
0x60: {  	v7 =	vld [tilespmem:s24+$0xFFFFFF10];
	v8 =	vadd.s32 v1, v6  }
0x61: {  	v9 =	vld [tilespmem:s24+$0xFFFFFF20];
	v10 =	vadd.s32 v2, v6  }
0x62: {  	v11 =	vld [tilespmem:s24+$0xFFFFFF30];
	v6 =	vadd.s32 v3, v6;
	_ =	sdelay $0x1  }
0x63: {  	[tilespmem:v5+s15+$0x0] =	vst.idx.msk $0xffff, v4  }
0x64: {  	s26 =	sadd.s32 $0x1, s25;
	[tilespmem:v8+s15+$0x0] =	vst.idx.msk $0xffff, v7  }
0x65: {  	v4 =	vmov s26;
	[tilespmem:v10+s15+$0x0] =	vst.idx.msk $0xffff, v9  }
0x66: {  	v4 =	vand.u32 $0x7D, v4;
	[tilespmem:v6+s15+$0x0] =	vst.idx.msk $0xffff, v11  }
0x67: {  	v55 =	vadd.s32 v0, v4;
	v5 =	vld [tilespmem:s24+$0xFFFFFF80]  }
0x68: {  	v56 =	vadd.s32 v1, v4;
	v7 =	vld [tilespmem:s24+$0xFFFFFF90]  }
0x69: {  	v57 =	vadd.s32 v2, v4;
	v9 =	vld [tilespmem:s24+$0xFFFFFFA0]  }
0x6a: {  	v4 =	vadd.s32 v3, v4;
	v11 =	vld [tilespmem:s24+$0xFFFFFFB0];
	_ =	sdelay $0x1  }
0x6b: {  	[tilespmem:v55+s15+$0x0] =	vst.idx.msk $0xffff, v5  }
0x6c: {  	s30 =	sadd.s32 $0x2, s25;
	[tilespmem:v56+s15+$0x0] =	vst.idx.msk $0xffff, v7  }
0x6d: {  	v5 =	vmov s30;
	[tilespmem:v57+s15+$0x0] =	vst.idx.msk $0xffff, v9  }
0x6e: {  	[tilespmem:v4+s15+$0x0] =	vst.idx.msk $0xffff, v11;
	v4 =	vand.u32 $0x7E, v5  }
0x6f: {  	v5 =	vld [tilespmem:s24+$0x0];
	v58 =	vadd.s32 v0, v4  }
0x70: {  	v7 =	vld [tilespmem:s24+$0x10];
	v59 =	vadd.s32 v1, v4  }
0x71: {  	v9 =	vld [tilespmem:s24+$0x20];
	v60 =	vadd.s32 v2, v4  }
0x72: {  	v11 =	vld [tilespmem:s24+$0x30];
	v4 =	vadd.s32 v3, v4;
	_ =	sdelay $0x1  }
0x73: {  	[tilespmem:v58+s15+$0x0] =	vst.idx.msk $0xffff, v5  }
0x74: {  	s31 =	sadd.s32 $0x3, s25;
	[tilespmem:v59+s15+$0x0] =	vst.idx.msk $0xffff, v7  }
0x75: {  	v5 =	vmov s31;
	[tilespmem:v60+s15+$0x0] =	vst.idx.msk $0xffff, v9  }
0x76: {  	[tilespmem:v4+s15+$0x0] =	vst.idx.msk $0xffff, v11;
	v4 =	vand.u32 $0x7F, v5  }
0x77: {  	v5 =	vld [tilespmem:s24+$0x80];
	v61 =	vadd.s32 v0, v4  }
0x78: {  	v7 =	vld [tilespmem:s24+$0x90];
	v62 =	vadd.s32 v1, v4  }
0x79: {  	v9 =	vld [tilespmem:s24+$0xA0];
	v63 =	vadd.s32 v2, v4  }
0x7a: {  	v11 =	vld [tilespmem:s24+$0xB0];
	v4 =	vadd.s32 v3, v4;
	_ =	sdelay $0x1  }
0x7b: {  	s25 =	sshll.u32 s21, $0x13;
	[tilespmem:v61+s15+$0x0] =	vst.idx.msk $0xffff, v5  }
0x7c: {  	s24 =	sor.u32 s4, s25;
	[tilespmem:v62+s15+$0x0] =	vst.idx.msk $0xffff, v7  }
0x7d: {  	s24 =	sshrl.u32 s24, $0x3;
	[tilespmem:v63+s15+$0x0] =	vst.idx.msk $0xffff, v9  }
0x7e: {  	s26 =	simm.s32 $0xE400;
	s25 =	sadd.s32 s1, s24;
	[tilespmem:v4+s15+$0x0] =	vst.idx.msk $0xffff, v11  }
0x7f: {  	[hbm4b:s25+s3] =	stream.linear.scatter [tilespmem:s26], [sflag:$0x3], $0x80, $0x38;
	[tilespmem:$0x12800] =	vst v63  }
0x80: {  	s30 =	simm.s32 $0xE488;
	s31 =	sadd.s32 $0x10, s25  }
0x81: {  	[hbm4b:s31+s3] =	stream.linear.scatter [tilespmem:s30], [sflag:$0x3], $0x80, $0x38;
	[tilespmem:$0x12800] =	vst v63  }
0x82: {  	s28 =	simm.s32 $0xE7B8;
	s30 =	simm.s32 $0xE510;
	s31 =	sadd.s32 $0x20, s25  }
0x83: {  	[hbm4b:s31+s3] =	stream.linear.scatter [tilespmem:s30], [sflag:$0x3], $0x80, $0x38;
	[tilespmem:$0x12800] =	vst v63  }
0x84: {  	s24 =	simm.s32 $0x440;
	s30 =	simm.s32 $0xE598;
	s31 =	sadd.s32 $0x30, s25  }
0x85: {  	[hbm4b:s31+s3] =	stream.linear.scatter [tilespmem:s30], [sflag:$0x3], $0x80, $0x38;
	[tilespmem:$0x12800] =	vst v63  }
0x86: {  	s29 =	sadd.s32 $0x70, s25;
	s30 =	simm.s32 $0xE620;
	s31 =	sadd.s32 $0x40, s25  }
0x87: {  	[hbm4b:s31+s3] =	stream.linear.scatter [tilespmem:s30], [sflag:$0x3], $0x80, $0x38;
	[tilespmem:$0x12800] =	vst v63  }
0x88: {  	s26 =	simm.s32 $0x2200;
	s30 =	simm.s32 $0xE6A8;
	s31 =	sadd.s32 $0x50, s25  }
0x89: {  	[hbm4b:s31+s3] =	stream.linear.scatter [tilespmem:s30], [sflag:$0x3], $0x80, $0x38;
	[tilespmem:$0x12800] =	vst v63  }
0x8a: {  	s30 =	simm.s32 $0xE730;
	s31 =	sadd.s32 $0x60, s25;
	s25 =	sadd.s32 $0x1000, s25  }
0x8b: {  	[hbm4b:s31+s3] =	stream.linear.scatter [tilespmem:s30], [sflag:$0x3], $0x80, $0x38;
	[tilespmem:$0x12800] =	vst v63  }
.LBB2_5:
0x8c: {  	[hbm4b:s29+s3] =	stream.linear.scatter [tilespmem:s28], [sflag:$0x3], $0x80, $0x38;
	[tilespmem:$0x12800] =	vst v63  }
0x8d: {  	s28 =	smov.u32 s24;
	s24 =	smov.u32 s26  }
0x8e: {  	s30 =	sadd.s32 $0x1100, s26;
	s24 =	sshra.s32 s24, $0x2;
	s29 =	sadd.s32 $0xE400, s28  }
0x8f: {  	[hbm4b:s25+s3] =	stream.linear.scatter [tilespmem:s29], [sflag:$0x3], $0x80, $0x38;
	[tilespmem:$0x12800] =	vst v63  }
0x90: {  	p0 =	sne.s32 s26, $0x7700;
	s26 =	sadd.s32 $0xE488, s28;
	s29 =	sadd.s32 $0x10, s25  }
0x91: {  	[hbm4b:s29+s3] =	stream.linear.scatter [tilespmem:s26], [sflag:$0x3], $0x80, $0x38;
	[tilespmem:$0x12800] =	vst v63  }
0x92: {  	s26 =	sadd.s32 $0xE510, s28;
	s29 =	sadd.s32 $0x20, s25  }
0x93: {  	[hbm4b:s29+s3] =	stream.linear.scatter [tilespmem:s26], [sflag:$0x3], $0x80, $0x38;
	[tilespmem:$0x12800] =	vst v63  }
0x94: {  	s26 =	sadd.s32 $0xE598, s28;
	s29 =	sadd.s32 $0x30, s25  }
0x95: {  	[hbm4b:s29+s3] =	stream.linear.scatter [tilespmem:s26], [sflag:$0x3], $0x80, $0x38;
	[tilespmem:$0x12800] =	vst v63  }
0x96: {  	s26 =	sadd.s32 $0xE620, s28;
	s29 =	sadd.s32 $0x40, s25  }
0x97: {  	[hbm4b:s29+s3] =	stream.linear.scatter [tilespmem:s26], [sflag:$0x3], $0x80, $0x38;
	[tilespmem:$0x12800] =	vst v63  }
.Ltmp1:
0x98: {  	s26 =	sadd.s32 $0xE6A8, s28;
	s29 =	sadd.s32 $0x50, s25;
	(pc) =	sbr.rel @p0 .LBB2_5-.Ltmp1, $4  }
0x99: {  	[hbm4b:s29+s3] =	stream.linear.scatter [tilespmem:s26], [sflag:$0x3], $0x80, $0x38;
	[tilespmem:$0x12800] =	vst v63  }
0x9a: {  	s26 =	sadd.s32 $0xE730, s28;
	s29 =	sadd.s32 $0x60, s25;
	s28 =	sadd.s32 $0xE7B8, s28  }
0x9b: {  	[hbm4b:s29+s3] =	stream.linear.scatter [tilespmem:s26], [sflag:$0x3], $0x80, $0x38;
	[tilespmem:$0x12800] =	vst v63  }
0x9c: {  	s29 =	sadd.s32 $0x70, s25;
	s25 =	sadd.s32 $0x1000, s25;
	s26 =	smov.u32 s30  }
0x9d: {  	[hbm4b:s29+s3] =	stream.linear.scatter [tilespmem:s28], [sflag:$0x3], $0x80, $0x38;
	[tilespmem:$0x12800] =	vst v63  }
0x9e: {  	s26 =	sadd.s32 $0xE400, s24  }
0x9f: {  	[hbm4b:s25+s3] =	stream.linear.scatter [tilespmem:s26], [sflag:$0x3], $0x80, $0x38;
	[tilespmem:$0x12800] =	vst v63  }
0xa0: {  	s30 =	sadd.s32 $0xE488, s24;
	s31 =	sadd.s32 $0x10, s25  }
0xa1: {  	[hbm4b:s31+s3] =	stream.linear.scatter [tilespmem:s30], [sflag:$0x3], $0x80, $0x38;
	[tilespmem:$0x12800] =	vst v63  }
0xa2: {  	s29 =	sadd.s32 $0xE510, s24;
	s30 =	sadd.s32 $0x20, s25  }
0xa3: {  	[hbm4b:s30+s3] =	stream.linear.scatter [tilespmem:s29], [sflag:$0x3], $0x80, $0x38;
	[tilespmem:$0x12800] =	vst v63  }
0xa4: {  	s31 =	sadd.s32 $0xE598, s24;
	s29 =	sadd.s32 $0x30, s25  }
0xa5: {  	[hbm4b:s29+s3] =	stream.linear.scatter [tilespmem:s31], [sflag:$0x3], $0x80, $0x38;
	[tilespmem:$0x12800] =	vst v63  }
0xa6: {  	s30 =	sadd.s32 $0xE620, s24;
	s31 =	sadd.s32 $0x40, s25  }
0xa7: {  	[hbm4b:s31+s3] =	stream.linear.scatter [tilespmem:s30], [sflag:$0x3], $0x80, $0x38;
	[tilespmem:$0x12800] =	vst v63  }
0xa8: {  	s29 =	sadd.s32 $0xE6A8, s24;
	s30 =	sadd.s32 $0x50, s25  }
0xa9: {  	[hbm4b:s30+s3] =	stream.linear.scatter [tilespmem:s29], [sflag:$0x3], $0x80, $0x38;
	[tilespmem:$0x12800] =	vst v63  }
0xaa: {  	p0 =	seq.s32 s21, $0x63;
	s31 =	sadd.s32 $0xE730, s24;
	s29 =	sadd.s32 $0x60, s25  }
0xab: {  	[hbm4b:s29+s3] =	stream.linear.scatter [tilespmem:s31], [sflag:$0x3], $0x80, $0x38;
	[tilespmem:$0x12800] =	vst v63  }
0xac: {  	s23 =	sshll.u32 @!p0 s23, $0x7;
	s30 =	sadd.s32 $0xE7B8, s24;
	s31 =	sadd.s32 $0x70, s25  }
0xad: {  	[hbm4b:s31+s3] =	stream.linear.scatter [tilespmem:s30], [sflag:$0x3], $0x80, $0x38;
	[tilespmem:$0x12800] =	vst v63  }
0xae: {  	s23 =	sadd.s32 @!p0 $0x100, s23;
	_ =	swait.ge [sflag:s16], $0x4000  }
0xaf: {  	p1 =	seq.s32 @!p0 s21, $0x0;
	s23 =	sand.u32 @!p0 $0xFF00, s23;
	[sflag:s16] =	ssyncset.done $0x0  }
0xb0: {  	s24 =	simm.s32 @!p0 $0x80;
	s25 =	simm.s32 @!p0 $0x6400;
	[sflag:s16] =	ssyncadd.s32 $0xFFFFC000  }
0xb1: {  	[tilespmem:s25], [sflag:$0x1] =	stream.indirect.gather @!p0 [hbm4b:s5+s24], $0x80, s23, s24, $0xb8;
	[tilespmem:$0x12800] =	vst v63  }
0xb2: {  	p0 =	por p0, !p1  }
0xb3: {  	s25 =	simm.s32 $0x0;
	_ =	swait.ge @p0 [sflag:s19], $0x2000  }
0xb4: {  	v4 =	vmov s25;
	[sflag:s19] =	ssyncset.done @p0 $0x0  }
0xb5: {  	s26 =	simm.s32 $0x0;
	v4 =	vand.u32 $0x7C, v4;
	[sflag:s19] =	ssyncadd.s32 @p0 $0xFFFFE000  }
0xb6: {  	v6 =	vadd.s32 v0, v4;
	v5 =	vld [tilespmem:s26+$0xA400]  }
0xb7: {  	v8 =	vadd.s32 v1, v4;
	v7 =	vld [tilespmem:s26+$0xA410]  }
0xb8: {  	v10 =	vadd.s32 v2, v4;
	v9 =	vld [tilespmem:s26+$0xA420]  }
0xb9: {  	v4 =	vadd.s32 v3, v4;
	v11 =	vld [tilespmem:s26+$0xA430];
	_ =	sdelay $0x1  }
0xba: {  	[tilespmem:v6+s17+$0x0] =	vst.idx.msk $0xffff, v5  }
0xbb: {  	s28 =	simm.s32 $0x1;
	[tilespmem:v8+s17+$0x0] =	vst.idx.msk $0xffff, v7  }
0xbc: {  	v5 =	vmov s28;
	[tilespmem:v10+s17+$0x0] =	vst.idx.msk $0xffff, v9  }
0xbd: {  	[tilespmem:v4+s17+$0x0] =	vst.idx.msk $0xffff, v11;
	v4 =	vand.u32 $0x7D, v5  }
0xbe: {  	v5 =	vld [tilespmem:s26+$0xA480];
	v6 =	vadd.s32 v0, v4  }
0xbf: {  	v7 =	vld [tilespmem:s26+$0xA490];
	v8 =	vadd.s32 v1, v4  }
0xc0: {  	v9 =	vld [tilespmem:s26+$0xA4A0];
	v60 =	vadd.s32 v2, v4  }
0xc1: {  	v11 =	vld [tilespmem:s26+$0xA4B0];
	v4 =	vadd.s32 v3, v4;
	_ =	sdelay $0x1  }
0xc2: {  	[tilespmem:v6+s17+$0x0] =	vst.idx.msk $0xffff, v5  }
0xc3: {  	s29 =	simm.s32 $0x2;
	[tilespmem:v8+s17+$0x0] =	vst.idx.msk $0xffff, v7  }
0xc4: {  	v5 =	vmov s29;
	[tilespmem:v60+s17+$0x0] =	vst.idx.msk $0xffff, v9  }
0xc5: {  	[tilespmem:v4+s17+$0x0] =	vst.idx.msk $0xffff, v11;
	v4 =	vand.u32 $0x7E, v5  }
0xc6: {  	v5 =	vld [tilespmem:s26+$0xA500];
	v6 =	vadd.s32 v0, v4  }
0xc7: {  	v7 =	vld [tilespmem:s26+$0xA510];
	v8 =	vadd.s32 v1, v4  }
0xc8: {  	v9 =	vld [tilespmem:s26+$0xA520];
	v61 =	vadd.s32 v2, v4  }
0xc9: {  	v11 =	vld [tilespmem:s26+$0xA530];
	v4 =	vadd.s32 v3, v4;
	_ =	sdelay $0x1  }
0xca: {  	[tilespmem:v6+s17+$0x0] =	vst.idx.msk $0xffff, v5  }
0xcb: {  	s30 =	simm.s32 $0x3;
	[tilespmem:v8+s17+$0x0] =	vst.idx.msk $0xffff, v7  }
0xcc: {  	v5 =	vmov s30;
	[tilespmem:v61+s17+$0x0] =	vst.idx.msk $0xffff, v9  }
0xcd: {  	v5 =	vand.u32 $0x7F, v5;
	[tilespmem:v4+s17+$0x0] =	vst.idx.msk $0xffff, v11  }
0xce: {  	v7 =	vadd.s32 v0, v5;
	v6 =	vld [tilespmem:s26+$0xA580]  }
0xcf: {  	v62 =	vadd.s32 v1, v5;
	v8 =	vld [tilespmem:s26+$0xA590]  }
0xd0: {  	v63 =	vadd.s32 v2, v5;
	v10 =	vld [tilespmem:s26+$0xA5A0]  }
0xd1: {  	v5 =	vadd.s32 v3, v5;
	v4 =	vld [tilespmem:s26+$0xA5B0];
	_ =	sdelay $0x1  }
0xd2: {  	[tilespmem:v7+s17+$0x0] =	vst.idx.msk $0xffff, v6  }
0xd3: {  	s31 =	simm.s32 $0x4;
	[tilespmem:v62+s17+$0x0] =	vst.idx.msk $0xffff, v8  }
0xd4: {  	s23 =	simm.s32 $0x200;
	s24 =	simm.s32 $0x7;
	s25 =	simm.s32 $0x1000;
	v6 =	vmov s31;
	[tilespmem:v63+s17+$0x0] =	vst.idx.msk $0xffff, v10  }
.LBB2_7:
0xd5: {  	s26 =	sshra.s32 s25, $0x2;
	p0 =	sne.s32 s25, $0xF800;
	s25 =	sadd.s32 $0x800, s25;
	v6 =	vand.u32 $0x7C, v6;
	[tilespmem:v5+s17+$0x0] =	vst.idx.msk $0xffff, v4  }
0xd6: {  	v4 =	vld [tilespmem:s23+$0xA400];
	v5 =	vadd.s32 v0, v6  }
0xd7: {  	v8 =	vadd.s32 v1, v6;
	v7 =	vld [tilespmem:s23+$0xA410]  }
0xd8: {  	v10 =	vadd.s32 v2, v6;
	v9 =	vld [tilespmem:s23+$0xA420]  }
0xd9: {  	v6 =	vadd.s32 v3, v6;
	v11 =	vld [tilespmem:s23+$0xA430];
	_ =	sdelay $0x1  }
0xda: {  	[tilespmem:v5+s17+$0x0] =	vst.idx.msk $0xffff, v4  }
0xdb: {  	s28 =	sadd.s32 $0xFFFFFFFE, s24;
	[tilespmem:v8+s17+$0x0] =	vst.idx.msk $0xffff, v7  }
0xdc: {  	v4 =	vmov s28;
	[tilespmem:v10+s17+$0x0] =	vst.idx.msk $0xffff, v9  }
0xdd: {  	v4 =	vand.u32 $0x7D, v4;
	[tilespmem:v6+s17+$0x0] =	vst.idx.msk $0xffff, v11  }
0xde: {  	v6 =	vadd.s32 v0, v4;
	v5 =	vld [tilespmem:s23+$0xA480]  }
0xdf: {  	v8 =	vadd.s32 v1, v4;
	v7 =	vld [tilespmem:s23+$0xA490]  }
0xe0: {  	v10 =	vadd.s32 v2, v4;
	v9 =	vld [tilespmem:s23+$0xA4A0]  }
0xe1: {  	v4 =	vadd.s32 v3, v4;
	v11 =	vld [tilespmem:s23+$0xA4B0];
	_ =	sdelay $0x1  }
0xe2: {  	[tilespmem:v6+s17+$0x0] =	vst.idx.msk $0xffff, v5  }
0xe3: {  	s28 =	sadd.s32 $0xFFFFFFFF, s24;
	[tilespmem:v8+s17+$0x0] =	vst.idx.msk $0xffff, v7  }
0xe4: {  	v5 =	vmov s28;
	[tilespmem:v10+s17+$0x0] =	vst.idx.msk $0xffff, v9  }
0xe5: {  	[tilespmem:v4+s17+$0x0] =	vst.idx.msk $0xffff, v11;
	v4 =	vand.u32 $0x7E, v5  }
0xe6: {  	v5 =	vld [tilespmem:s23+$0xA500];
	v6 =	vadd.s32 v0, v4  }
0xe7: {  	v8 =	vadd.s32 v1, v4;
	v7 =	vld [tilespmem:s23+$0xA510]  }
0xe8: {  	v10 =	vadd.s32 v2, v4;
	v9 =	vld [tilespmem:s23+$0xA520]  }
0xe9: {  	v4 =	vadd.s32 v3, v4;
	v11 =	vld [tilespmem:s23+$0xA530];
	_ =	sdelay $0x1  }
0xea: {  	[tilespmem:v6+s17+$0x0] =	vst.idx.msk $0xffff, v5  }
0xeb: {  	[tilespmem:v8+s17+$0x0] =	vst.idx.msk $0xffff, v7  }
0xec: {  	v5 =	vmov s24;
	[tilespmem:v10+s17+$0x0] =	vst.idx.msk $0xffff, v9  }
0xed: {  	v5 =	vand.u32 $0x7F, v5;
	[tilespmem:v4+s17+$0x0] =	vst.idx.msk $0xffff, v11  }
0xee: {  	v7 =	vadd.s32 v0, v5;
	v6 =	vld [tilespmem:s23+$0xA580]  }
0xef: {  	v9 =	vadd.s32 v1, v5;
	v8 =	vld [tilespmem:s23+$0xA590]  }
0xf0: {  	v11 =	vadd.s32 v2, v5;
	v10 =	vld [tilespmem:s23+$0xA5A0]  }
.Ltmp2:
0xf1: {  	v5 =	vadd.s32 v3, v5;
	v4 =	vld [tilespmem:s23+$0xA5B0];
	s23 =	smov.u32 s26;
	(pc) =	sbr.rel @p0 .LBB2_7-.Ltmp2, $4  }
0xf2: {  	_ = 	snop  }
0xf3: {  	s24 =	sadd.s32 $0x4, s24;
	[tilespmem:v7+s17+$0x0] =	vst.idx.msk $0xffff, v6  }
0xf4: {  	s26 =	sadd.s32 $0xFFFFFFFD, s24;
	[tilespmem:v9+s17+$0x0] =	vst.idx.msk $0xffff, v8  }
0xf5: {  	v6 =	vmov s26;
	[tilespmem:v11+s17+$0x0] =	vst.idx.msk $0xffff, v10  }
0xf6: {  	_ =	sdelay $0x3  }
0xf7: {  	v6 =	vand.u32 $0x7C, v6;
	[tilespmem:v5+s17+$0x0] =	vst.idx.msk $0xffff, v4  }
0xf8: {  	v4 =	vld [tilespmem:s23+$0xA400];
	v5 =	vadd.s32 v0, v6  }
0xf9: {  	v7 =	vld [tilespmem:s23+$0xA410];
	v8 =	vadd.s32 v1, v6  }
0xfa: {  	v9 =	vld [tilespmem:s23+$0xA420];
	v10 =	vadd.s32 v2, v6  }
0xfb: {  	v11 =	vld [tilespmem:s23+$0xA430];
	v6 =	vadd.s32 v3, v6;
	_ =	sdelay $0x1  }
0xfc: {  	[tilespmem:v5+s17+$0x0] =	vst.idx.msk $0xffff, v4  }
0xfd: {  	s25 =	sadd.s32 $0xFFFFFFFE, s24;
	[tilespmem:v8+s17+$0x0] =	vst.idx.msk $0xffff, v7  }
0xfe: {  	v4 =	vmov s25;
	[tilespmem:v10+s17+$0x0] =	vst.idx.msk $0xffff, v9  }
0xff: {  	v4 =	vand.u32 $0x7D, v4;
	[tilespmem:v6+s17+$0x0] =	vst.idx.msk $0xffff, v11  }
0x100: {  	v55 =	vadd.s32 v0, v4;
	v5 =	vld [tilespmem:s23+$0xA480]  }
0x101: {  	v56 =	vadd.s32 v1, v4;
	v7 =	vld [tilespmem:s23+$0xA490]  }
0x102: {  	v57 =	vadd.s32 v2, v4;
	v9 =	vld [tilespmem:s23+$0xA4A0]  }
0x103: {  	v4 =	vadd.s32 v3, v4;
	v11 =	vld [tilespmem:s23+$0xA4B0];
	_ =	sdelay $0x1  }
0x104: {  	[tilespmem:v55+s17+$0x0] =	vst.idx.msk $0xffff, v5  }
0x105: {  	s31 =	sadd.s32 $0xFFFFFFFF, s24;
	[tilespmem:v56+s17+$0x0] =	vst.idx.msk $0xffff, v7  }
0x106: {  	v5 =	vmov s31;
	[tilespmem:v57+s17+$0x0] =	vst.idx.msk $0xffff, v9  }
0x107: {  	[tilespmem:v4+s17+$0x0] =	vst.idx.msk $0xffff, v11;
	v4 =	vand.u32 $0x7E, v5  }
0x108: {  	v5 =	vld [tilespmem:s23+$0xA500];
	v58 =	vadd.s32 v0, v4  }
0x109: {  	v7 =	vld [tilespmem:s23+$0xA510];
	v59 =	vadd.s32 v1, v4  }
0x10a: {  	v9 =	vld [tilespmem:s23+$0xA520];
	v60 =	vadd.s32 v2, v4  }
0x10b: {  	v11 =	vld [tilespmem:s23+$0xA530];
	v4 =	vadd.s32 v3, v4;
	_ =	sdelay $0x1  }
0x10c: {  	[tilespmem:v58+s17+$0x0] =	vst.idx.msk $0xffff, v5  }
0x10d: {  	[tilespmem:v59+s17+$0x0] =	vst.idx.msk $0xffff, v7  }
0x10e: {  	v5 =	vmov s24;
	[tilespmem:v60+s17+$0x0] =	vst.idx.msk $0xffff, v9  }
0x10f: {  	[tilespmem:v4+s17+$0x0] =	vst.idx.msk $0xffff, v11;
	v4 =	vand.u32 $0x7F, v5  }
0x110: {  	v5 =	vld [tilespmem:s23+$0xA580];
	v61 =	vadd.s32 v0, v4  }
0x111: {  	v7 =	vld [tilespmem:s23+$0xA590];
	v62 =	vadd.s32 v1, v4  }
0x112: {  	v9 =	vld [tilespmem:s23+$0xA5A0];
	v63 =	vadd.s32 v2, v4  }
0x113: {  	v11 =	vld [tilespmem:s23+$0xA5B0];
	v4 =	vadd.s32 v3, v4;
	_ =	sdelay $0x1  }
0x114: {  	s22 =	sshll.u32 s22, $0x12;
	[tilespmem:v61+s17+$0x0] =	vst.idx.msk $0xffff, v5  }
0x115: {  	s22 =	sor.u32 s4, s22;
	[tilespmem:v62+s17+$0x0] =	vst.idx.msk $0xffff, v7  }
0x116: {  	s22 =	sshrl.u32 s22, $0x3;
	[tilespmem:v63+s17+$0x0] =	vst.idx.msk $0xffff, v9  }
0x117: {  	s24 =	simm.s32 $0x10600;
	s23 =	sadd.s32 s1, s22;
	[tilespmem:v4+s17+$0x0] =	vst.idx.msk $0xffff, v11  }
0x118: {  	[hbm4b:s23+s3] =	stream.linear.scatter [tilespmem:s24], [sflag:$0x4], $0x80, $0x38;
	[tilespmem:$0x12800] =	vst v63  }
0x119: {  	s25 =	simm.s32 $0x10688;
	s26 =	sadd.s32 $0x10, s23  }
0x11a: {  	[hbm4b:s26+s3] =	stream.linear.scatter [tilespmem:s25], [sflag:$0x4], $0x80, $0x38;
	[tilespmem:$0x12800] =	vst v63  }
0x11b: {  	s28 =	simm.s32 $0x10710;
	s30 =	simm.s32 $0x10798;
	s29 =	sadd.s32 $0x20, s23  }
0x11c: {  	[hbm4b:s29+s3] =	stream.linear.scatter [tilespmem:s28], [sflag:$0x4], $0x80, $0x38;
	[tilespmem:$0x12800] =	vst v63  }
0x11d: {  	s22 =	simm.s32 $0x440;
	s31 =	sadd.s32 $0x30, s23;
	s24 =	simm.s32 $0x2200  }
0x11e: {  	[hbm4b:s31+s3] =	stream.linear.scatter [tilespmem:s30], [sflag:$0x4], $0x80, $0x38;
	[tilespmem:$0x12800] =	vst v63  }
0x11f: {  	s25 =	simm.s32 $0x10820;
	s26 =	sadd.s32 $0x40, s23;
	s28 =	simm.s32 $0x108A8  }
0x120: {  	[hbm4b:s26+s3] =	stream.linear.scatter [tilespmem:s25], [sflag:$0x4], $0x80, $0x38;
	[tilespmem:$0x12800] =	vst v63  }
0x121: {  	s29 =	sadd.s32 $0x50, s23;
	s30 =	simm.s32 $0x10930;
	s31 =	sadd.s32 $0x60, s23  }
0x122: {  	[hbm4b:s29+s3] =	stream.linear.scatter [tilespmem:s28], [sflag:$0x4], $0x80, $0x38;
	[tilespmem:$0x12800] =	vst v63  }
0x123: {  	s25 =	simm.s32 $0x109B8;
	s26 =	sadd.s32 $0x70, s23;
	s23 =	sadd.s32 $0x1000, s23  }
0x124: {  	[hbm4b:s31+s3] =	stream.linear.scatter [tilespmem:s30], [sflag:$0x4], $0x80, $0x38;
	[tilespmem:$0x12800] =	vst v63  }
.LBB2_9:
0x125: {  	[hbm4b:s26+s3] =	stream.linear.scatter [tilespmem:s25], [sflag:$0x4], $0x80, $0x38;
	[tilespmem:$0x12800] =	vst v63  }
0x126: {  	s25 =	smov.u32 s22;
	s22 =	smov.u32 s24  }
0x127: {  	s28 =	sadd.s32 $0x1100, s24;
	s22 =	sshra.s32 s22, $0x2;
	s26 =	sadd.s32 $0x10600, s25  }
0x128: {  	[hbm4b:s23+s3] =	stream.linear.scatter [tilespmem:s26], [sflag:$0x4], $0x80, $0x38;
	[tilespmem:$0x12800] =	vst v63  }
0x129: {  	p0 =	sne.s32 s24, $0x7700;
	s24 =	sadd.s32 $0x10688, s25;
	s26 =	sadd.s32 $0x10, s23  }
0x12a: {  	[hbm4b:s26+s3] =	stream.linear.scatter [tilespmem:s24], [sflag:$0x4], $0x80, $0x38;
	[tilespmem:$0x12800] =	vst v63  }
0x12b: {  	s24 =	sadd.s32 $0x10710, s25;
	s26 =	sadd.s32 $0x20, s23  }
0x12c: {  	[hbm4b:s26+s3] =	stream.linear.scatter [tilespmem:s24], [sflag:$0x4], $0x80, $0x38;
	[tilespmem:$0x12800] =	vst v63  }
0x12d: {  	s24 =	sadd.s32 $0x10798, s25;
	s26 =	sadd.s32 $0x30, s23  }
0x12e: {  	[hbm4b:s26+s3] =	stream.linear.scatter [tilespmem:s24], [sflag:$0x4], $0x80, $0x38;
	[tilespmem:$0x12800] =	vst v63  }
0x12f: {  	s24 =	sadd.s32 $0x10820, s25;
	s26 =	sadd.s32 $0x40, s23  }
0x130: {  	[hbm4b:s26+s3] =	stream.linear.scatter [tilespmem:s24], [sflag:$0x4], $0x80, $0x38;
	[tilespmem:$0x12800] =	vst v63  }
.Ltmp3:
0x131: {  	s24 =	sadd.s32 $0x108A8, s25;
	s26 =	sadd.s32 $0x50, s23;
	(pc) =	sbr.rel @p0 .LBB2_9-.Ltmp3, $4  }
0x132: {  	[hbm4b:s26+s3] =	stream.linear.scatter [tilespmem:s24], [sflag:$0x4], $0x80, $0x38;
	[tilespmem:$0x12800] =	vst v63  }
0x133: {  	s24 =	sadd.s32 $0x10930, s25;
	s26 =	sadd.s32 $0x60, s23;
	s25 =	sadd.s32 $0x109B8, s25  }
0x134: {  	[hbm4b:s26+s3] =	stream.linear.scatter [tilespmem:s24], [sflag:$0x4], $0x80, $0x38;
	[tilespmem:$0x12800] =	vst v63  }
0x135: {  	s26 =	sadd.s32 $0x70, s23;
	s23 =	sadd.s32 $0x1000, s23;
	s24 =	smov.u32 s28  }
0x136: {  	[hbm4b:s26+s3] =	stream.linear.scatter [tilespmem:s25], [sflag:$0x4], $0x80, $0x38;
	[tilespmem:$0x12800] =	vst v63  }
0x137: {  	s24 =	sadd.s32 $0x10600, s22  }
0x138: {  	[hbm4b:s23+s3] =	stream.linear.scatter [tilespmem:s24], [sflag:$0x4], $0x80, $0x38;
	[tilespmem:$0x12800] =	vst v63  }
0x139: {  	s30 =	sadd.s32 $0x10688, s22;
	s31 =	sadd.s32 $0x10, s23  }
0x13a: {  	[hbm4b:s31+s3] =	stream.linear.scatter [tilespmem:s30], [sflag:$0x4], $0x80, $0x38;
	[tilespmem:$0x12800] =	vst v63  }
0x13b: {  	s25 =	sadd.s32 $0x10710, s22;
	s26 =	sadd.s32 $0x20, s23  }
0x13c: {  	[hbm4b:s26+s3] =	stream.linear.scatter [tilespmem:s25], [sflag:$0x4], $0x80, $0x38;
	[tilespmem:$0x12800] =	vst v63  }
0x13d: {  	s28 =	sadd.s32 $0x10798, s22;
	s29 =	sadd.s32 $0x30, s23  }
0x13e: {  	[hbm4b:s29+s3] =	stream.linear.scatter [tilespmem:s28], [sflag:$0x4], $0x80, $0x38;
	[tilespmem:$0x12800] =	vst v63  }
0x13f: {  	s21 =	sadd.s32 $0x1, s21;
	s30 =	sadd.s32 $0x10820, s22;
	s31 =	sadd.s32 $0x40, s23  }
0x140: {  	[hbm4b:s31+s3] =	stream.linear.scatter [tilespmem:s30], [sflag:$0x4], $0x80, $0x38;
	[tilespmem:$0x12800] =	vst v63  }
0x141: {  	p0 =	sne.s32 s21, $0x64;
	s25 =	sadd.s32 $0x108A8, s22;
	s26 =	sadd.s32 $0x50, s23  }
0x142: {  	[hbm4b:s26+s3] =	stream.linear.scatter [tilespmem:s25], [sflag:$0x4], $0x80, $0x38;
	[tilespmem:$0x12800] =	vst v63  }
.Ltmp4:
0x143: {  	_ = 	snop;
	(pc) =	sbr.rel @p0 .LBB2_2-.Ltmp4, $4  }
0x144: {  	s28 =	sadd.s32 $0x10930, s22;
	s29 =	sadd.s32 $0x60, s23  }
0x145: {  	[hbm4b:s29+s3] =	stream.linear.scatter [tilespmem:s28], [sflag:$0x4], $0x80, $0x38;
	[tilespmem:$0x12800] =	vst v63  }
0x146: {  	s30 =	sadd.s32 $0x109B8, s22;
	s31 =	sadd.s32 $0x70, s23  }
0x147: {  	[hbm4b:s31+s3] =	stream.linear.scatter [tilespmem:s30], [sflag:$0x4], $0x80, $0x38;
	[tilespmem:$0x12800] =	vst v63  }
0x148: {  	s20 =	sadd.s32 $0x1, s20  }
0x149: {  	_ =	swait.ge [sflag:s18], $0x2000;
	p0 =	sne.s32 s20, s7  }
.Ltmp5:
0x14a: {  	[sflag:s18] =	ssyncset.done $0x0;
	(pc) =	sbr.rel @p0 .LBB2_1-.Ltmp5, $4  }
0x14b: {  	[sflag:s18] =	ssyncadd.s32 $0xFFFFE000  }
0x14c: {  	_ =	swait.ge [sflag:s19], $0x2000  }
0x14d: {  	[sflag:s19] =	ssyncset.done $0x0  }
0x14e: {  	[sflag:s19] =	ssyncadd.s32 $0xFFFFE000  }
0x14f: {  	_ =	sfence.sel $0x180000  }
0x150: {  	[bflag:$0x0] =	sbarrier.arrive $0xFFFF  }
0x151: {  	p0 =	sne.s32 s2, $0x0;
	_ =	strace $0x90000047  }
0x152: {  	s0 =	sadd.s32 @!p0 $0x100000, s0;
	[bflag:$0x2] =	sbarrier.arrive $0xFFFF  }
0x153: {  	[sflag:s0] =	ssyncadd.tile.s32 @!p0 $0x1;
	_ =	shalt  }
.Lfunc_end2:
_tile_overlayer_lowered:
.L_overlay_start_2:
0x154: {  	(tag) =	ssettag $0x2  }
0x155: {  	s0 =	rddreg [dreg:$0x0];
	s2 =	stileid.u32  }
0x156: {  	s1 =	rddreg [dreg:$0x1];
	p0 =	sne.s32 s2, $0x0  }
0x157: {  	s3 =	rddreg [dreg:$0x2];
	[bflag:$0x3] =	sbarrier.arrive $0xFFFF;
	s2 =	simm.s32 @!p0 $0x1C06  }
0x158: {  	[timem:s3], [sflag:s2] =	dma.local @!p0 [hbm:s0], s1  }
0x159: {  	s0 =	simm.s32 @!p0 $0x6  }
0x15a: {  	_ =	swait.ge @!p0 [sflag:s0], s1  }
0x15b: {  	s1 =	ssub.s32 @!p0 $0x0, s1;
	[sflag:s0] =	ssyncset.done @!p0 $0x0  }
0x15c: {  	[sflag:s0] =	ssyncadd.s32 @!p0 s1  }
0x15d: {  	[bflag:$0x3] =	sbarrier.arrive $0xFFFF  }
0x15e: {  	_ =	shalt  }

</sc_bundles>
